<compile_context>
chip_gen: v7x
topology: tpu7x:2x2x1
jax: 0.10.2.dev20260603
libtpu: 0.0.44.dev20260713+nightly
codegen_flags: <defaults>
</compile_context>

<pallas_src>
import functools

import jax
import jax.numpy as jnp
from jax import lax
from jax.experimental import pallas as pl
from jax.experimental.pallas import tpu as pltpu
from jax.experimental.pallas import tpu_sc as plsc

B = 4096
OBS = 512
NXT = 512
LAT = 64
E = 8
HG = 256
H = 512
K = 1024
DP = 128

BB = 512
NBLK = B // BB
BD = 1024
NDBLK = B // BD


def _elu(x):
    return jnp.where(x > 0, x, jnp.exp(x) - 1.0)


def _dot(a, b):
    return jnp.dot(a, b, preferred_element_type=jnp.float32)



def _encvq_body(obs_ref, nxt_ref, w1_ref, b1_ref, w2_ref, b2_ref, w3_ref,
                b3_ref, cbt_ref, lat_ref,
                idxb_ref, idxk_ref, rmin_ref, rarg_ref):
    i = pl.program_id(0)
    x = jnp.concatenate([obs_ref[...], nxt_ref[...]], axis=1)
    h = _elu(_dot(x, w1_ref[...]) + b1_ref[...])
    h = _elu(_dot(h, w2_ref[...]) + b2_ref[...])
    lat = _dot(h, w3_ref[...]) + b3_ref[...]
    lat_ref[...] = jnp.pad(lat, ((0, 0), (0, DP - LAT)))

    cbt = cbt_ref[...]
    scores = jnp.dot(lat, cbt, preferred_element_type=jnp.float32,
                     precision=lax.Precision.HIGHEST)
    cbn = jnp.sum(cbt * cbt, axis=0)
    latn = jnp.sum(lat * lat, axis=1)

    fwd = cbn[None, :] - 2.0 * scores
    iota_k = lax.broadcasted_iota(jnp.int32, (BB, K), 1)
    fmin = jnp.min(fwd, axis=1, keepdims=True)
    idxb_ref[...] = jnp.min(jnp.where(fwd == fmin, iota_k, K), axis=1)

    rev = latn[:, None] - 2.0 * scores
    iota_b = lax.broadcasted_iota(jnp.int32, (BB, K), 0)
    cmin = jnp.min(rev, axis=0)
    carg = jnp.min(jnp.where(rev == cmin[None, :], iota_b, BB),
                   axis=0) + i * BB

    @pl.when(i == 0)
    def _():
        rmin_ref[...] = cmin
        rarg_ref[...] = carg

    @pl.when(i > 0)
    def _():
        better = cmin < rmin_ref[...]
        rmin_ref[...] = jnp.where(better, cmin, rmin_ref[...])
        rarg_ref[...] = jnp.where(better, carg, rarg_ref[...])

    @pl.when(i == NBLK - 1)
    def _():
        idxk_ref[...] = rarg_ref[...]


def _encode_vq(obs, nxt, w1, b1, w2, b2, w3, b3, cbt):
    full = lambda shape: pl.BlockSpec(shape, lambda i: (0,) * len(shape))
    return pl.pallas_call(
        _encvq_body,
        grid=(NBLK,),
        in_specs=[
            pl.BlockSpec((BB, OBS), lambda i: (i, 0)),
            pl.BlockSpec((BB, NXT), lambda i: (i, 0)),
            full((OBS + NXT, 512)), full((1, 512)),
            full((512, 256)), full((1, 256)),
            full((256, LAT)), full((1, LAT)),
            full((LAT, K)),
        ],
        out_specs=(pl.BlockSpec((BB, DP), lambda i: (i, 0)),
                   pl.BlockSpec((BB,), lambda i: (i,)),
                   pl.BlockSpec((K,), lambda i: (0,))),
        out_shape=(jax.ShapeDtypeStruct((B, DP), jnp.float32),
                   jax.ShapeDtypeStruct((B,), jnp.int32),
                   jax.ShapeDtypeStruct((K,), jnp.int32)),
        scratch_shapes=[pltpu.VMEM((K,), jnp.float32),
                        pltpu.VMEM((K,), jnp.int32)],
    )(obs, nxt, w1, b1.reshape(1, -1), w2, b2.reshape(1, -1),
      w3, b3.reshape(1, -1), cbt)



def _sc_gather2(cb_pad, lat_pad, idx_b, idx_k):
    info = plsc.get_sparse_core_info()
    nw = info.num_cores * info.num_subcores
    nb = B // nw
    nk = K // nw
    mesh = plsc.VectorSubcoreMesh(core_axis_name="c", subcore_axis_name="s")

    @functools.partial(
        pl.kernel, mesh=mesh,
        out_type=(jax.ShapeDtypeStruct((B, DP), jnp.float32),
                  jax.ShapeDtypeStruct((K, DP), jnp.float32)),
        scratch_types=[
            pltpu.VMEM((nb,), jnp.int32),
            pltpu.VMEM((nb, DP), jnp.float32),
            pltpu.VMEM((nk,), jnp.int32),
            pltpu.VMEM((nk, DP), jnp.float32),
            pltpu.SemaphoreType.DMA,
            pltpu.SemaphoreType.DMA,
        ],
    )
    def gather(cb_hbm, lat_hbm, idxb_hbm, idxk_hbm, outb_hbm, outk_hbm,
               idxb_v, rowsb_v, idxk_v, rowsk_v, semb, semk):
        wid = lax.axis_index("s") * info.num_cores + lax.axis_index("c")
        bbase = wid * nb
        kbase = wid * nk
        pltpu.sync_copy(idxb_hbm.at[pl.ds(bbase, nb)], idxb_v)
        pltpu.sync_copy(idxk_hbm.at[pl.ds(kbase, nk)], idxk_v)
        cpb = pltpu.async_copy(cb_hbm.at[idxb_v], rowsb_v, semb)
        cpk = pltpu.async_copy(lat_hbm.at[idxk_v], rowsk_v, semk)
        cpb.wait()
        cpk.wait()
        pltpu.sync_copy(rowsb_v, outb_hbm.at[pl.ds(bbase, nb)])
        pltpu.sync_copy(rowsk_v, outk_hbm.at[pl.ds(kbase, nk)])

    return gather(cb_pad, lat_pad, idx_b, idx_k)



def _dec_body(x_ref, latd_ref,
              gw1_ref, gb1_ref, gw2_ref, gb2_ref, gw3_ref, gb3_ref,
              ew1_ref, eb1_ref, ew2_ref, eb2_ref, ew3_ref, eb3_ref,
              out_ref):
    latd = latd_ref[:, :LAT]
    g = _elu(_dot(latd, gw1_ref[...]) + gb1_ref[...])
    g = _elu(_dot(g, gw2_ref[...]) + gb2_ref[...])
    logits = _dot(g, gw3_ref[...]) + gb3_ref[...]
    m = jnp.max(logits, axis=1, keepdims=True)
    ex = jnp.exp(logits - m)
    w = ex / jnp.sum(ex, axis=1, keepdims=True)

    def blended(xin, we_ref, be_ref):
        acc = _dot(w, be_ref[...])
        for e in range(E):
            acc += w[:, e:e + 1] * _dot(xin, we_ref[e])
        return acc

    h1 = _elu(blended(jnp.concatenate([x_ref[...], latd], axis=1),
                      ew1_ref, eb1_ref))
    h2 = _elu(blended(h1, ew2_ref, eb2_ref))
    out_ref[...] = blended(h2, ew3_ref, eb3_ref)


def _decoder(obs, latd, gw1, gb1, gw2, gb2, gw3, gb3,
             ew1, eb1, ew2, eb2, ew3, eb3):
    full = lambda shape: pl.BlockSpec(shape, lambda i: (0,) * len(shape))
    return pl.pallas_call(
        _dec_body,
        grid=(NDBLK,),
        in_specs=[
            pl.BlockSpec((BD, OBS), lambda i: (i, 0)),
            pl.BlockSpec((BD, DP), lambda i: (i, 0)),
            full((LAT, HG)), full((1, HG)),
            full((HG, HG)), full((1, HG)),
            full((HG, E)), full((1, E)),
            full((E, OBS + LAT, H)), full((E, H)),
            full((E, H, H)), full((E, H)),
            full((E, H, NXT)), full((E, NXT)),
        ],
        out_specs=pl.BlockSpec((BD, NXT), lambda i: (i, 0)),
        out_shape=jax.ShapeDtypeStruct((B, NXT), jnp.float32),
    )(obs, latd, gw1, gb1.reshape(1, -1), gw2, gb2.reshape(1, -1),
      gw3, gb3.reshape(1, -1), ew1, eb1, ew2, eb2, ew3, eb3)



def kernel(obs, nxt_obs, enc_W1, enc_b1, enc_W2, enc_b2, enc_W3, enc_b3,
           codebook, gate_W1, gate_b1, gate_W2, gate_b2, gate_W3, gate_b3,
           exp_W1, exp_b1, exp_W2, exp_b2, exp_W3, exp_b3):
    lat_pad, idx_b, idx_k = _encode_vq(
        obs, nxt_obs, enc_W1, enc_b1, enc_W2, enc_b2, enc_W3, enc_b3,
        codebook.T)
    cb_pad = jnp.pad(codebook, ((0, 0), (0, DP - LAT)))
    latd_pad, late_pad = _sc_gather2(cb_pad, lat_pad, idx_b, idx_k)
    output = _decoder(obs, latd_pad,
                      gate_W1, gate_b1, gate_W2, gate_b2, gate_W3, gate_b3,
                      exp_W1, exp_b1, exp_W2, exp_b2, exp_W3, exp_b3)
    return (output, lat_pad[:, :LAT], latd_pad[:, :LAT], late_pad[:, :LAT])

# --- scband reference (transcript-rebuilt; emitter-appended) ---
"""Pipeline reference for scband-motion-vae-18348100288743 (READ-ONLY COPY).

The authoritative reference and input builder live on the scoring server;
editing this copy changes nothing except your own understanding.
"""

import jax, jax.numpy as jnp
import numpy as np

B = 4096
OBS = 512
NXT = 512
LAT = 64
E = 8
HG = 256
H = 512
K = 1024


def setup_inputs(seed: int = 0) -> dict:
    key = jax.random.key(seed)
    ks = jax.random.split(key, 16)
    s = lambda i, shape: jax.random.normal(ks[i], shape, dtype=jnp.float32) * 0.05
    inp = {
        "obs": jax.random.normal(ks[0], (B, OBS), dtype=jnp.float32),
        "nxt_obs": jax.random.normal(ks[1], (B, NXT), dtype=jnp.float32),
        "enc_W1": s(2, (OBS + NXT, 512)), "enc_b1": jnp.zeros((512,), jnp.float32),
        "enc_W2": s(3, (512, 256)), "enc_b2": jnp.zeros((256,), jnp.float32),
        "enc_W3": s(4, (256, LAT)), "enc_b3": jnp.zeros((LAT,), jnp.float32),
        "codebook": jax.random.uniform(ks[5], (K, LAT), jnp.float32, -1.0, 1.0),
        "gate_W1": s(6, (LAT, HG)), "gate_b1": jnp.zeros((HG,), jnp.float32),
        "gate_W2": s(7, (HG, HG)), "gate_b2": jnp.zeros((HG,), jnp.float32),
        "gate_W3": s(8, (HG, E)), "gate_b3": jnp.zeros((E,), jnp.float32),
        "exp_W1": s(9, (E, OBS + LAT, H)), "exp_b1": jnp.zeros((E, H), jnp.float32),
        "exp_W2": s(10, (E, H, H)), "exp_b2": jnp.zeros((E, H), jnp.float32),
        "exp_W3": s(11, (E, H, NXT)), "exp_b3": jnp.zeros((E, NXT), jnp.float32),
    }
    return inp


def _find_nearest(x, y):
    # faithful to torch: sqrt of summed squared diffs, argmin over codebook axis, gather rows of y
    d = jnp.sqrt(((x[:, None, :] - y[None, :, :]) ** 2).sum(2))
    idx = jnp.argmin(d, axis=1)
    return jnp.take(y, idx, axis=0)


def _encode(obs, nxt_obs, p):
    h = jnp.concatenate([obs, nxt_obs], axis=-1)
    h = jax.nn.elu(h @ p["enc_W1"] + p["enc_b1"])
    h = jax.nn.elu(h @ p["enc_W2"] + p["enc_b2"])
    return h @ p["enc_W3"] + p["enc_b3"]


def _decode(obs, latent, p):
    # MANN decoder: gating net over latent -> softmax expert weights;
    # expert linear layers blended per-sample (x @ sum_e w_e W_e == sum_e w_e (x @ W_e))
    g = jax.nn.elu(latent @ p["gate_W1"] + p["gate_b1"])
    g = jax.nn.elu(g @ p["gate_W2"] + p["gate_b2"])
    w = jax.nn.softmax(g @ p["gate_W3"] + p["gate_b3"], axis=-1)

    def blended(x, We, be):
        y = jnp.einsum('bi,eio->beo', x, We)
        return jnp.einsum('be,beo->bo', w, y) + w @ be

    x = jnp.concatenate([obs, latent], axis=-1)
    h1 = jax.nn.elu(blended(x, p["exp_W1"], p["exp_b1"]))
    h2 = jax.nn.elu(blended(h1, p["exp_W2"], p["exp_b2"]))
    return blended(h2, p["exp_W3"], p["exp_b3"])


def reference(obs, nxt_obs, enc_W1, enc_b1, enc_W2, enc_b2, enc_W3, enc_b3,
              codebook, gate_W1, gate_b1, gate_W2, gate_b2, gate_W3, gate_b3,
              exp_W1, exp_b1, exp_W2, exp_b2, exp_W3, exp_b3):
    p = {
        "obs": obs, "nxt_obs": nxt_obs,
        "enc_W1": enc_W1, "enc_b1": enc_b1,
        "enc_W2": enc_W2, "enc_b2": enc_b2,
        "enc_W3": enc_W3, "enc_b3": enc_b3,
        "codebook": codebook,
        "gate_W1": gate_W1, "gate_b1": gate_b1,
        "gate_W2": gate_W2, "gate_b2": gate_b2,
        "gate_W3": gate_W3, "gate_b3": gate_b3,
        "exp_W1": exp_W1, "exp_b1": exp_b1,
        "exp_W2": exp_W2, "exp_b2": exp_b2,
        "exp_W3": exp_W3, "exp_b3": exp_b3,
    }
    latent_ori = _encode(obs, nxt_obs, p)
    latent_dec = _find_nearest(latent_ori, p["codebook"])
    output = _decode(obs, latent_dec, p)
    latent_enc_for_embd = _find_nearest(p["codebook"], latent_ori)
    return (output, latent_ori, latent_dec, latent_enc_for_embd)

if __name__ == "__main__":
    import jax
    _d = setup_inputs()
    print(jax.jit(kernel)(*tuple(_d.values())))

</pallas_src>

<mosaic_0001>
#map = affine_map<(d0, d1) -> (0, 0)>
#map1 = affine_map<(d0, d1) -> (0)>
module attributes {stable_mosaic.version = 14 : i64} {
  func.func @gather(%arg0: i32, %arg1: i32, %arg2: memref<1024x128xf32, #tpu.memory_space<hbm>>, %arg3: memref<4096x128xf32, #tpu.memory_space<hbm>>, %arg4: memref<4096xi32, #tpu.memory_space<hbm>>, %arg5: memref<1024xi32, #tpu.memory_space<hbm>>, %arg6: memref<4096x128xf32, #tpu.memory_space<hbm>>, %arg7: memref<1024x128xf32, #tpu.memory_space<hbm>>, %arg8: memref<128xi32, #tpu.memory_space<vmem>>, %arg9: memref<128x128xf32, #tpu.memory_space<vmem>>, %arg10: memref<32xi32, #tpu.memory_space<vmem>>, %arg11: memref<32x128xf32, #tpu.memory_space<vmem>>, %arg12: memref<!tpu.dma_semaphore, #tpu.memory_space<semaphore_mem>>, %arg13: memref<!tpu.dma_semaphore, #tpu.memory_space<semaphore_mem>>) attributes {dimension_semantics = [#tpu.dimension_semantics<core_parallel>, #tpu.dimension_semantics<subcore_parallel>], iteration_bounds = array<i64: 2, 16>, scalar_prefetch = 0 : i64, scratch_operands = 6 : i64, tpu.core_type = #tpu.core_type<sc_vector_subcore>, window_params = [{transform_indices = #map}, {transform_indices = #map}, {transform_indices = #map1}, {transform_indices = #map1}, {transform_indices = #map}, {transform_indices = #map}]} {
    %mul3A = arith.constant 2 : i32
    %mul3A_0 = arith.muli %arg1, %mul3A : i32
    %add3A = arith.addi %mul3A_0, %arg0 : i32
    %mul3A_1 = arith.constant 128 : i32
    %mul3A_2 = arith.muli %add3A, %mul3A_1 : i32
    %mul3A_3 = arith.constant 32 : i32
    %mul3A_4 = arith.muli %add3A, %mul3A_3 : i32
    "tpu.region"() ({
      %run_scoped3A = tpu.sem_alloc : memref<!tpu.dma_semaphore, #tpu.memory_space<semaphore_mem>>
      %dma_start3A_15 = tpu.memref_slice %arg4[%mul3A_2] : memref<4096xi32, #tpu.memory_space<hbm>> -> memref<128xi32, #tpu.memory_space<hbm>>
      %dma_start3A_16 = tpu.memref_slice %arg4[%mul3A_2] : memref<4096xi32, #tpu.memory_space<hbm>> -> memref<128xi32, #tpu.memory_space<hbm>>
      tpu.enqueue_dma source(%dma_start3A_16 : memref<128xi32, #tpu.memory_space<hbm>>) target(%arg8 : memref<128xi32, #tpu.memory_space<vmem>>) target_semaphore(%run_scoped3A : memref<!tpu.dma_semaphore, #tpu.memory_space<semaphore_mem>>)
      %dma_wait3A_17 = tpu.memref_slice %arg4[%mul3A_2] : memref<4096xi32, #tpu.memory_space<hbm>> -> memref<128xi32, #tpu.memory_space<hbm>>
      %dma_wait3A_18 = tpu.memref_slice %arg4[%mul3A_2] : memref<4096xi32, #tpu.memory_space<hbm>> -> memref<128xi32, #tpu.memory_space<hbm>>
      tpu.wait_dma2 semaphore(%run_scoped3A : memref<!tpu.dma_semaphore, #tpu.memory_space<semaphore_mem>>) src(%dma_wait3A_18 : memref<128xi32, #tpu.memory_space<hbm>>) dst(%arg8 : memref<128xi32, #tpu.memory_space<vmem>>)
      tpu.yield
    }) : () -> ()
    "tpu.region"() ({
      %run_scoped3A = tpu.sem_alloc : memref<!tpu.dma_semaphore, #tpu.memory_space<semaphore_mem>>
      %dma_start3A_15 = tpu.memref_slice %arg5[%mul3A_4] : memref<1024xi32, #tpu.memory_space<hbm>> -> memref<32xi32, #tpu.memory_space<hbm>>
      %dma_start3A_16 = tpu.memref_slice %arg5[%mul3A_4] : memref<1024xi32, #tpu.memory_space<hbm>> -> memref<32xi32, #tpu.memory_space<hbm>>
      tpu.enqueue_dma source(%dma_start3A_16 : memref<32xi32, #tpu.memory_space<hbm>>) target(%arg10 : memref<32xi32, #tpu.memory_space<vmem>>) target_semaphore(%run_scoped3A : memref<!tpu.dma_semaphore, #tpu.memory_space<semaphore_mem>>)
      %dma_wait3A_17 = tpu.memref_slice %arg5[%mul3A_4] : memref<1024xi32, #tpu.memory_space<hbm>> -> memref<32xi32, #tpu.memory_space<hbm>>
      %dma_wait3A_18 = tpu.memref_slice %arg5[%mul3A_4] : memref<1024xi32, #tpu.memory_space<hbm>> -> memref<32xi32, #tpu.memory_space<hbm>>
      tpu.wait_dma2 semaphore(%run_scoped3A : memref<!tpu.dma_semaphore, #tpu.memory_space<semaphore_mem>>) src(%dma_wait3A_18 : memref<32xi32, #tpu.memory_space<hbm>>) dst(%arg10 : memref<32xi32, #tpu.memory_space<vmem>>)
      tpu.yield
    }) : () -> ()
    %dma_start3A = arith.constant 0 : i32
    %dma_start3A_5 = arith.constant 0 : i32
    %dma_start3A_6 = tpu.memref_slice %arg2[%dma_start3A, %dma_start3A_5] : memref<1024x128xf32, #tpu.memory_space<hbm>> -> memref<1024x128xf32, #tpu.memory_space<hbm>>
    tpu.enqueue_indirect_dma source(%dma_start3A_6 : memref<1024x128xf32, #tpu.memory_space<hbm>>) target(%arg9 : memref<128x128xf32, #tpu.memory_space<vmem>>) offsets(%arg8 : memref<128xi32, #tpu.memory_space<vmem>>) semaphore(%arg12 : memref<!tpu.dma_semaphore, #tpu.memory_space<semaphore_mem>>)
    %dma_start3A_7 = arith.constant 0 : i32
    %dma_start3A_8 = arith.constant 0 : i32
    %dma_start3A_9 = tpu.memref_slice %arg3[%dma_start3A_7, %dma_start3A_8] : memref<4096x128xf32, #tpu.memory_space<hbm>> -> memref<4096x128xf32, #tpu.memory_space<hbm>>
    tpu.enqueue_indirect_dma source(%dma_start3A_9 : memref<4096x128xf32, #tpu.memory_space<hbm>>) target(%arg11 : memref<32x128xf32, #tpu.memory_space<vmem>>) offsets(%arg10 : memref<32xi32, #tpu.memory_space<vmem>>) semaphore(%arg13 : memref<!tpu.dma_semaphore, #tpu.memory_space<semaphore_mem>>)
    %dma_wait3A = arith.constant 0 : i32
    %dma_wait3A_10 = arith.constant 0 : i32
    %dma_wait3A_11 = tpu.memref_slice %arg2[%dma_wait3A, %dma_wait3A_10] : memref<1024x128xf32, #tpu.memory_space<hbm>> -> memref<1024x128xf32, #tpu.memory_space<hbm>>
    tpu.wait_indirect_dma semaphore(%arg12 : memref<!tpu.dma_semaphore, #tpu.memory_space<semaphore_mem>>) src(%dma_wait3A_11 : memref<1024x128xf32, #tpu.memory_space<hbm>>) dst(%arg9 : memref<128x128xf32, #tpu.memory_space<vmem>>)
    %dma_wait3A_12 = arith.constant 0 : i32
    %dma_wait3A_13 = arith.constant 0 : i32
    %dma_wait3A_14 = tpu.memref_slice %arg3[%dma_wait3A_12, %dma_wait3A_13] : memref<4096x128xf32, #tpu.memory_space<hbm>> -> memref<4096x128xf32, #tpu.memory_space<hbm>>
    tpu.wait_indirect_dma semaphore(%arg13 : memref<!tpu.dma_semaphore, #tpu.memory_space<semaphore_mem>>) src(%dma_wait3A_14 : memref<4096x128xf32, #tpu.memory_space<hbm>>) dst(%arg11 : memref<32x128xf32, #tpu.memory_space<vmem>>)
    "tpu.region"() ({
      %run_scoped3A = tpu.sem_alloc : memref<!tpu.dma_semaphore, #tpu.memory_space<semaphore_mem>>
      %dma_start3A_15 = arith.constant 0 : i32
      %dma_start3A_16 = tpu.memref_slice %arg6[%mul3A_2, %dma_start3A_15] : memref<4096x128xf32, #tpu.memory_space<hbm>> -> memref<128x128xf32, #tpu.memory_space<hbm>>
      %dma_start3A_17 = arith.constant 0 : i32
      %dma_start3A_18 = tpu.memref_slice %arg6[%mul3A_2, %dma_start3A_17] : memref<4096x128xf32, #tpu.memory_space<hbm>> -> memref<128x128xf32, #tpu.memory_space<hbm>>
      tpu.enqueue_dma source(%arg9 : memref<128x128xf32, #tpu.memory_space<vmem>>) target(%dma_start3A_18 : memref<128x128xf32, #tpu.memory_space<hbm>>) target_semaphore(%run_scoped3A : memref<!tpu.dma_semaphore, #tpu.memory_space<semaphore_mem>>)
      %dma_wait3A_19 = arith.constant 0 : i32
      %dma_wait3A_20 = tpu.memref_slice %arg6[%mul3A_2, %dma_wait3A_19] : memref<4096x128xf32, #tpu.memory_space<hbm>> -> memref<128x128xf32, #tpu.memory_space<hbm>>
      %dma_wait3A_21 = arith.constant 0 : i32
      %dma_wait3A_22 = tpu.memref_slice %arg6[%mul3A_2, %dma_wait3A_21] : memref<4096x128xf32, #tpu.memory_space<hbm>> -> memref<128x128xf32, #tpu.memory_space<hbm>>
      tpu.wait_dma2 semaphore(%run_scoped3A : memref<!tpu.dma_semaphore, #tpu.memory_space<semaphore_mem>>) src(%arg9 : memref<128x128xf32, #tpu.memory_space<vmem>>) dst(%dma_wait3A_22 : memref<128x128xf32, #tpu.memory_space<hbm>>)
      tpu.yield
    }) : () -> ()
    "tpu.region"() ({
      %run_scoped3A = tpu.sem_alloc : memref<!tpu.dma_semaphore, #tpu.memory_space<semaphore_mem>>
      %dma_start3A_15 = arith.constant 0 : i32
      %dma_start3A_16 = tpu.memref_slice %arg7[%mul3A_4, %dma_start3A_15] : memref<1024x128xf32, #tpu.memory_space<hbm>> -> memref<32x128xf32, #tpu.memory_space<hbm>>
      %dma_start3A_17 = arith.constant 0 : i32
      %dma_start3A_18 = tpu.memref_slice %arg7[%mul3A_4, %dma_start3A_17] : memref<1024x128xf32, #tpu.memory_space<hbm>> -> memref<32x128xf32, #tpu.memory_space<hbm>>
      tpu.enqueue_dma source(%arg11 : memref<32x128xf32, #tpu.memory_space<vmem>>) target(%dma_start3A_18 : memref<32x128xf32, #tpu.memory_space<hbm>>) target_semaphore(%run_scoped3A : memref<!tpu.dma_semaphore, #tpu.memory_space<semaphore_mem>>)
      %dma_wait3A_19 = arith.constant 0 : i32
      %dma_wait3A_20 = tpu.memref_slice %arg7[%mul3A_4, %dma_wait3A_19] : memref<1024x128xf32, #tpu.memory_space<hbm>> -> memref<32x128xf32, #tpu.memory_space<hbm>>
      %dma_wait3A_21 = arith.constant 0 : i32
      %dma_wait3A_22 = tpu.memref_slice %arg7[%mul3A_4, %dma_wait3A_21] : memref<1024x128xf32, #tpu.memory_space<hbm>> -> memref<32x128xf32, #tpu.memory_space<hbm>>
      tpu.wait_dma2 semaphore(%run_scoped3A : memref<!tpu.dma_semaphore, #tpu.memory_space<semaphore_mem>>) src(%arg11 : memref<32x128xf32, #tpu.memory_space<vmem>>) dst(%dma_wait3A_22 : memref<32x128xf32, #tpu.memory_space<hbm>>)
      tpu.yield
    }) : () -> ()
    return
  }
}

module attributes {stable_mosaic.version = 14 : i64} {
  func.func @_encvq_body(%arg0: i32, %arg1: memref<512x512xf32, #tpu.memory_space<vmem>>, %arg2: memref<512x512xf32, #tpu.memory_space<vmem>>, %arg3: memref<1024x512xf32, #tpu.memory_space<vmem>>, %arg4: memref<1x512xf32, #tpu.memory_space<vmem>>, %arg5: memref<512x256xf32, #tpu.memory_space<vmem>>, %arg6: memref<1x256xf32, #tpu.memory_space<vmem>>, %arg7: memref<256x64xf32, #tpu.memory_space<vmem>>, %arg8: memref<1x64xf32, #tpu.memory_space<vmem>>, %arg9: memref<64x1024xf32, #tpu.memory_space<vmem>>, %arg10: memref<512x128xf32, #tpu.memory_space<vmem>>, %arg11: memref<512xi32, #tpu.memory_space<vmem>>, %arg12: memref<1024xi32, #tpu.memory_space<vmem>>, %arg13: memref<1024xf32, #tpu.memory_space<vmem>>, %arg14: memref<1024xi32, #tpu.memory_space<vmem>>) attributes {dimension_semantics = [#tpu.dimension_semantics<arbitrary>], iteration_bounds = array<i64: 8>, scalar_prefetch = 0 : i64, scratch_operands = 2 : i64, tpu.core_type = #tpu.core_type<tc>, window_params = [{transform_indices = @transform_0, window_bounds = array<i64: 512, 512>}, {transform_indices = @transform_1, window_bounds = array<i64: 512, 512>}, {pipeline_mode = #tpu.pipeline_mode<synchronous>, transform_indices = @transform_2, window_bounds = array<i64: 1024, 512>}, {pipeline_mode = #tpu.pipeline_mode<synchronous>, transform_indices = @transform_3, window_bounds = array<i64: 1, 512>}, {pipeline_mode = #tpu.pipeline_mode<synchronous>, transform_indices = @transform_4, window_bounds = array<i64: 512, 256>}, {pipeline_mode = #tpu.pipeline_mode<synchronous>, transform_indices = @transform_5, window_bounds = array<i64: 1, 256>}, {pipeline_mode = #tpu.pipeline_mode<synchronous>, transform_indices = @transform_6, window_bounds = array<i64: 256, 64>}, {pipeline_mode = #tpu.pipeline_mode<synchronous>, transform_indices = @transform_7, window_bounds = array<i64: 1, 64>}, {pipeline_mode = #tpu.pipeline_mode<synchronous>, transform_indices = @transform_8, window_bounds = array<i64: 64, 1024>}, {transform_indices = @transform_9, window_bounds = array<i64: 512, 128>}, {transform_indices = @transform_10, window_bounds = array<i64: 512>}, {pipeline_mode = #tpu.pipeline_mode<synchronous>, transform_indices = @transform_11, window_bounds = array<i64: 1024>}]} {
    %get3A = arith.constant 0 : index
    %get3A_0 = arith.constant 0 : index
    %get3A_1 = vector.load %arg1[%get3A, %get3A_0] : memref<512x512xf32, #tpu.memory_space<vmem>>, vector<512x512xf32>
    %get3A_2 = arith.constant 0 : index
    %get3A_3 = arith.constant 0 : index
    %get3A_4 = vector.load %arg2[%get3A_2, %get3A_3] : memref<512x512xf32, #tpu.memory_space<vmem>>, vector<512x512xf32>
    %concatenate3A = tpu.concatenate %get3A_1, %get3A_4 in 1 : vector<512x512xf32>, vector<512x512xf32> -> vector<512x1024xf32>
    %get3A_5 = arith.constant 0 : index
    %get3A_6 = arith.constant 0 : index
    %get3A_7 = vector.load %arg3[%get3A_5, %get3A_6] : memref<1024x512xf32, #tpu.memory_space<vmem>>, vector<1024x512xf32>
    %dot_general3A = arith.constant dense<0.000000e+00> : vector<512x512xf32>
    %dot_general3A_8 = tpu.matmul %concatenate3A, %get3A_7, %dot_general3A {dimension_numbers = #tpu.dot_dimension_numbers<[1], [0], [0], [1], [0, 0, 1, 1], [], []>, transpose_lhs_hint = false} : vector<512x1024xf32>, vector<1024x512xf32>, vector<512x512xf32> -> vector<512x512xf32>
    %get3A_9 = arith.constant 0 : index
    %get3A_10 = arith.constant 0 : index
    %get3A_11 = vector.load %arg4[%get3A_9, %get3A_10] : memref<1x512xf32, #tpu.memory_space<vmem>>, vector<1x512xf32>
    %add3A = vector.broadcast %get3A_11 : vector<1x512xf32> to vector<512x512xf32>
    %add3A_12 = arith.addf %dot_general3A_8, %add3A : vector<512x512xf32>
    %gt3A = arith.constant 0.000000e+00 : f32
    %gt3A_13 = vector.broadcast %gt3A : f32 to vector<512x512xf32>
    %gt3A_14 = arith.cmpf ogt, %add3A_12, %gt3A_13 : vector<512x512xf32>
    %exp3A = math.exp %add3A_12 : vector<512x512xf32>
    %sub3A = arith.constant 1.000000e+00 : f32
    %sub3A_15 = vector.broadcast %sub3A : f32 to vector<512x512xf32>
    %sub3A_16 = arith.subf %exp3A, %sub3A_15 : vector<512x512xf32>
    %select_n3A = arith.select %gt3A_14, %add3A_12, %sub3A_16 : vector<512x512xi1>, vector<512x512xf32>
    %get3A_17 = arith.constant 0 : index
    %get3A_18 = arith.constant 0 : index
    %get3A_19 = vector.load %arg5[%get3A_17, %get3A_18] : memref<512x256xf32, #tpu.memory_space<vmem>>, vector<512x256xf32>
    %dot_general3A_20 = arith.constant dense<0.000000e+00> : vector<512x256xf32>
    %dot_general3A_21 = tpu.matmul %select_n3A, %get3A_19, %dot_general3A_20 {dimension_numbers = #tpu.dot_dimension_numbers<[1], [0], [0], [1], [0, 0, 1, 1], [], []>, transpose_lhs_hint = false} : vector<512x512xf32>, vector<512x256xf32>, vector<512x256xf32> -> vector<512x256xf32>
    %get3A_22 = arith.constant 0 : index
    %get3A_23 = arith.constant 0 : index
    %get3A_24 = vector.load %arg6[%get3A_22, %get3A_23] : memref<1x256xf32, #tpu.memory_space<vmem>>, vector<1x256xf32>
    %add3A_25 = vector.broadcast %get3A_24 : vector<1x256xf32> to vector<512x256xf32>
    %add3A_26 = arith.addf %dot_general3A_21, %add3A_25 : vector<512x256xf32>
    %gt3A_27 = arith.constant 0.000000e+00 : f32
    %gt3A_28 = vector.broadcast %gt3A_27 : f32 to vector<512x256xf32>
    %gt3A_29 = arith.cmpf ogt, %add3A_26, %gt3A_28 : vector<512x256xf32>
    %exp3A_30 = math.exp %add3A_26 : vector<512x256xf32>
    %sub3A_31 = arith.constant 1.000000e+00 : f32
    %sub3A_32 = vector.broadcast %sub3A_31 : f32 to vector<512x256xf32>
    %sub3A_33 = arith.subf %exp3A_30, %sub3A_32 : vector<512x256xf32>
    %select_n3A_34 = arith.select %gt3A_29, %add3A_26, %sub3A_33 : vector<512x256xi1>, vector<512x256xf32>
    %get3A_35 = arith.constant 0 : index
    %get3A_36 = arith.constant 0 : index
    %get3A_37 = vector.load %arg7[%get3A_35, %get3A_36] : memref<256x64xf32, #tpu.memory_space<vmem>>, vector<256x64xf32>
    %dot_general3A_38 = arith.constant dense<0.000000e+00> : vector<512x64xf32>
    %dot_general3A_39 = tpu.matmul %select_n3A_34, %get3A_37, %dot_general3A_38 {dimension_numbers = #tpu.dot_dimension_numbers<[1], [0], [0], [1], [0, 0, 1, 1], [], []>, transpose_lhs_hint = false} : vector<512x256xf32>, vector<256x64xf32>, vector<512x64xf32> -> vector<512x64xf32>
    %get3A_40 = arith.constant 0 : index
    %get3A_41 = arith.constant 0 : index
    %get3A_42 = vector.load %arg8[%get3A_40, %get3A_41] : memref<1x64xf32, #tpu.memory_space<vmem>>, vector<1x64xf32>
    %add3A_43 = vector.broadcast %get3A_42 : vector<1x64xf32> to vector<512x64xf32>
    %add3A_44 = arith.addf %dot_general3A_39, %add3A_43 : vector<512x64xf32>
    %jit3A = arith.constant 0 : i32
    %convert_element_type3A = arith.sitofp %jit3A : i32 to f32
    %pad3A = vector.broadcast %convert_element_type3A : f32 to vector<512x64xf32>
    %pad3A_45 = tpu.concatenate %add3A_44, %pad3A in 1 : vector<512x64xf32>, vector<512x64xf32> -> vector<512x128xf32>
    %swap3A = arith.constant 0 : index
    %swap3A_46 = arith.constant 0 : index
    %swap3A_47 = vector.load %arg10[%swap3A, %swap3A_46] : memref<512x128xf32, #tpu.memory_space<vmem>>, vector<512x128xf32>
    tpu.vector_store %arg10[%swap3A, %swap3A_46], %pad3A_45 {strides = array<i32>} : memref<512x128xf32, #tpu.memory_space<vmem>>, vector<512x128xf32>,
    %get3A_48 = arith.constant 0 : index
    %get3A_49 = arith.constant 0 : index
    %get3A_50 = vector.load %arg9[%get3A_48, %get3A_49] : memref<64x1024xf32, #tpu.memory_space<vmem>>, vector<64x1024xf32>
    %dot_general3A_51 = arith.constant dense<0.000000e+00> : vector<512x1024xf32>
    %dot_general3A_52 = tpu.matmul %add3A_44, %get3A_50, %dot_general3A_51 {dimension_numbers = #tpu.dot_dimension_numbers<[1], [0], [0], [1], [0, 0, 1, 1], [], []>, precision = #tpu.contract_precision<fp32>, transpose_lhs_hint = false} : vector<512x64xf32>, vector<64x1024xf32>, vector<512x1024xf32> -> vector<512x1024xf32>
    %mul3A = arith.mulf %get3A_50, %get3A_50 : vector<64x1024xf32>
    %reduce_sum3A = arith.constant dense<0.000000e+00> : vector<1024xf32>
    %reduce_sum3A_53 = vector.multi_reduction <add>, %mul3A, %reduce_sum3A [0] : vector<64x1024xf32> to vector<1024xf32>
    %mul3A_54 = arith.mulf %add3A_44, %add3A_44 : vector<512x64xf32>
    %reduce_sum3A_55 = arith.constant dense<0.000000e+00> : vector<512xf32>
    %reduce_sum3A_56 = vector.multi_reduction <add>, %mul3A_54, %reduce_sum3A_55 [1] : vector<512x64xf32> to vector<512xf32>
    %broadcast_in_dim3A = vector.shape_cast %reduce_sum3A_53 : vector<1024xf32> to vector<1x1024xf32>
    %mul3A_57 = arith.constant 2.000000e+00 : f32
    %mul3A_58 = vector.broadcast %mul3A_57 : f32 to vector<512x1024xf32>
    %mul3A_59 = arith.mulf %mul3A_58, %dot_general3A_52 : vector<512x1024xf32>
    %sub3A_60 = vector.broadcast %broadcast_in_dim3A : vector<1x1024xf32> to vector<512x1024xf32>
    %sub3A_61 = arith.subf %sub3A_60, %mul3A_59 : vector<512x1024xf32>
    %iota3A = tpu.iota {dimensions = array<i32: 1>} : vector<512x1024xi32>
    %reduce_min3A = arith.constant dense<0x7F800000> : vector<512xf32>
    %reduce_min3A_62 = vector.multi_reduction <minimumf>, %sub3A_61, %reduce_min3A [1] : vector<512x1024xf32> to vector<512xf32>
    %broadcast_in_dim3A_63 = vector.shape_cast %reduce_min3A_62 : vector<512xf32> to vector<512x1xf32>
    %eq3A = vector.broadcast %broadcast_in_dim3A_63 : vector<512x1xf32> to vector<512x1024xf32>
    %eq3A_64 = arith.cmpf oeq, %sub3A_61, %eq3A : vector<512x1024xf32>
    %jit3A_65 = arith.constant 1024 : i32
    %broadcast_in_dim3A_66 = vector.broadcast %jit3A_65 : i32 to vector<512x1024xi32>
    %select_n3A_67 = arith.select %eq3A_64, %iota3A, %broadcast_in_dim3A_66 : vector<512x1024xi1>, vector<512x1024xi32>
    %reduce_min3A_68 = arith.constant dense<2147483647> : vector<512xi32>
    %reduce_min3A_69 = vector.multi_reduction <minsi>, %select_n3A_67, %reduce_min3A_68 [1] : vector<512x1024xi32> to vector<512xi32>
    %swap3A_70 = arith.constant 0 : index
    %swap3A_71 = vector.load %arg11[%swap3A_70] : memref<512xi32, #tpu.memory_space<vmem>>, vector<512xi32>
    tpu.vector_store %arg11[%swap3A_70], %reduce_min3A_69 {strides = array<i32>} : memref<512xi32, #tpu.memory_space<vmem>>, vector<512xi32>,
    %broadcast_in_dim3A_72 = vector.shape_cast %reduce_sum3A_56 : vector<512xf32> to vector<512x1xf32>
    %mul3A_73 = arith.constant 2.000000e+00 : f32
    %mul3A_74 = vector.broadcast %mul3A_73 : f32 to vector<512x1024xf32>
    %mul3A_75 = arith.mulf %mul3A_74, %dot_general3A_52 : vector<512x1024xf32>
    %sub3A_76 = vector.broadcast %broadcast_in_dim3A_72 : vector<512x1xf32> to vector<512x1024xf32>
    %sub3A_77 = arith.subf %sub3A_76, %mul3A_75 : vector<512x1024xf32>
    %iota3A_78 = tpu.iota {dimensions = array<i32: 0>} : vector<512x1024xi32>
    %reduce_min3A_79 = arith.constant dense<0x7F800000> : vector<1024xf32>
    %reduce_min3A_80 = vector.multi_reduction <minimumf>, %sub3A_77, %reduce_min3A_79 [0] : vector<512x1024xf32> to vector<1024xf32>
    %broadcast_in_dim3A_81 = vector.shape_cast %reduce_min3A_80 : vector<1024xf32> to vector<1x1024xf32>
    %eq3A_82 = vector.broadcast %broadcast_in_dim3A_81 : vector<1x1024xf32> to vector<512x1024xf32>
    %eq3A_83 = arith.cmpf oeq, %sub3A_77, %eq3A_82 : vector<512x1024xf32>
    %jit3A_84 = arith.constant 512 : i32
    %broadcast_in_dim3A_85 = vector.broadcast %jit3A_84 : i32 to vector<512x1024xi32>
    %select_n3A_86 = arith.select %eq3A_83, %iota3A_78, %broadcast_in_dim3A_85 : vector<512x1024xi1>, vector<512x1024xi32>
    %reduce_min3A_87 = arith.constant dense<2147483647> : vector<1024xi32>
    %reduce_min3A_88 = vector.multi_reduction <minsi>, %select_n3A_86, %reduce_min3A_87 [0] : vector<512x1024xi32> to vector<1024xi32>
    %mul3A_89 = arith.constant 512 : i32
    %mul3A_90 = arith.muli %arg0, %mul3A_89 : i32
    %add3A_91 = vector.broadcast %mul3A_90 : i32 to vector<1024xi32>
    %add3A_92 = arith.addi %reduce_min3A_88, %add3A_91 : vector<1024xi32>
    %eq3A_93 = arith.constant 0 : i32
    %eq3A_94 = arith.cmpi eq, %arg0, %eq3A_93 : i32
    %convert_element_type3A_95 = arith.extui %eq3A_94 : i1 to i32
    %cond3A = arith.constant 0 : i32
    %cond3A_96 = arith.cmpi ne, %convert_element_type3A_95, %cond3A : i32
    scf.if %cond3A_96 {
      %swap3A_107 = arith.constant 0 : index
      %swap3A_108 = vector.load %arg13[%swap3A_107] : memref<1024xf32, #tpu.memory_space<vmem>>, vector<1024xf32>
      tpu.vector_store %arg13[%swap3A_107], %reduce_min3A_80 {strides = array<i32>} : memref<1024xf32, #tpu.memory_space<vmem>>, vector<1024xf32>,
      %swap3A_109 = arith.constant 0 : index
      %swap3A_110 = vector.load %arg14[%swap3A_109] : memref<1024xi32, #tpu.memory_space<vmem>>, vector<1024xi32>
      tpu.vector_store %arg14[%swap3A_109], %add3A_92 {strides = array<i32>} : memref<1024xi32, #tpu.memory_space<vmem>>, vector<1024xi32>,
    } else {
    }
    %gt3A_97 = arith.constant 0 : i32
    %gt3A_98 = arith.cmpi sgt, %arg0, %gt3A_97 : i32
    %convert_element_type3A_99 = arith.extui %gt3A_98 : i1 to i32
    %cond3A_100 = arith.constant 0 : i32
    %cond3A_101 = arith.cmpi ne, %convert_element_type3A_99, %cond3A_100 : i32
    scf.if %cond3A_101 {
      %get3A_107 = arith.constant 0 : index
      %get3A_108 = vector.load %arg13[%get3A_107] : memref<1024xf32, #tpu.memory_space<vmem>>, vector<1024xf32>
      %lt3A = arith.cmpf olt, %reduce_min3A_80, %get3A_108 : vector<1024xf32>
      %get3A_109 = arith.constant 0 : index
      %get3A_110 = vector.load %arg13[%get3A_109] : memref<1024xf32, #tpu.memory_space<vmem>>, vector<1024xf32>
      %select_n3A_111 = arith.select %lt3A, %reduce_min3A_80, %get3A_110 : vector<1024xi1>, vector<1024xf32>
      %swap3A_112 = arith.constant 0 : index
      %swap3A_113 = vector.load %arg13[%swap3A_112] : memref<1024xf32, #tpu.memory_space<vmem>>, vector<1024xf32>
      tpu.vector_store %arg13[%swap3A_112], %select_n3A_111 {strides = array<i32>} : memref<1024xf32, #tpu.memory_space<vmem>>, vector<1024xf32>,
      %get3A_114 = arith.constant 0 : index
      %get3A_115 = vector.load %arg14[%get3A_114] : memref<1024xi32, #tpu.memory_space<vmem>>, vector<1024xi32>
      %select_n3A_116 = arith.select %lt3A, %add3A_92, %get3A_115 : vector<1024xi1>, vector<1024xi32>
      %swap3A_117 = arith.constant 0 : index
      %swap3A_118 = vector.load %arg14[%swap3A_117] : memref<1024xi32, #tpu.memory_space<vmem>>, vector<1024xi32>
      tpu.vector_store %arg14[%swap3A_117], %select_n3A_116 {strides = array<i32>} : memref<1024xi32, #tpu.memory_space<vmem>>, vector<1024xi32>,
    } else {
    }
    %eq3A_102 = arith.constant 7 : i32
    %eq3A_103 = arith.cmpi eq, %arg0, %eq3A_102 : i32
    %convert_element_type3A_104 = arith.extui %eq3A_103 : i1 to i32
    %cond3A_105 = arith.constant 0 : i32
    %cond3A_106 = arith.cmpi ne, %convert_element_type3A_104, %cond3A_105 : i32
    scf.if %cond3A_106 {
      %get3A_107 = arith.constant 0 : index
      %get3A_108 = vector.load %arg14[%get3A_107] : memref<1024xi32, #tpu.memory_space<vmem>>, vector<1024xi32>
      %swap3A_109 = arith.constant 0 : index
      %swap3A_110 = vector.load %arg12[%swap3A_109] : memref<1024xi32, #tpu.memory_space<vmem>>, vector<1024xi32>
      tpu.vector_store %arg12[%swap3A_109], %get3A_108 {strides = array<i32>} : memref<1024xi32, #tpu.memory_space<vmem>>, vector<1024xi32>,
    } else {
    }
    return
  }
  func.func @transform_0(%arg0: i32) -> (i32, i32) {
    %c0_i32 = arith.constant 0 : i32
    %c0_i32_0 = arith.constant 0 : i32
    return %arg0, %c0_i32 : i32, i32
  }
  func.func @transform_1(%arg0: i32) -> (i32, i32) {
    %c0_i32 = arith.constant 0 : i32
    %c0_i32_0 = arith.constant 0 : i32
    return %arg0, %c0_i32 : i32, i32
  }
  func.func @transform_2(%arg0: i32) -> (i32, i32) {
    %c0_i32 = arith.constant 0 : i32
    %c0_i32_0 = arith.constant 0 : i32
    %c0_i32_1 = arith.constant 0 : i32
    return %c0_i32, %c0_i32_0 : i32, i32
  }
  func.func @transform_3(%arg0: i32) -> (i32, i32) {
    %c0_i32 = arith.constant 0 : i32
    %c0_i32_0 = arith.constant 0 : i32
    %c0_i32_1 = arith.constant 0 : i32
    return %c0_i32, %c0_i32_0 : i32, i32
  }
  func.func @transform_4(%arg0: i32) -> (i32, i32) {
    %c0_i32 = arith.constant 0 : i32
    %c0_i32_0 = arith.constant 0 : i32
    %c0_i32_1 = arith.constant 0 : i32
    return %c0_i32, %c0_i32_0 : i32, i32
  }
  func.func @transform_5(%arg0: i32) -> (i32, i32) {
    %c0_i32 = arith.constant 0 : i32
    %c0_i32_0 = arith.constant 0 : i32
    %c0_i32_1 = arith.constant 0 : i32
    return %c0_i32, %c0_i32_0 : i32, i32
  }
  func.func @transform_6(%arg0: i32) -> (i32, i32) {
    %c0_i32 = arith.constant 0 : i32
    %c0_i32_0 = arith.constant 0 : i32
    %c0_i32_1 = arith.constant 0 : i32
    return %c0_i32, %c0_i32_0 : i32, i32
  }
  func.func @transform_7(%arg0: i32) -> (i32, i32) {
    %c0_i32 = arith.constant 0 : i32
    %c0_i32_0 = arith.constant 0 : i32
    %c0_i32_1 = arith.constant 0 : i32
    return %c0_i32, %c0_i32_0 : i32, i32
  }
  func.func @transform_8(%arg0: i32) -> (i32, i32) {
    %c0_i32 = arith.constant 0 : i32
    %c0_i32_0 = arith.constant 0 : i32
    %c0_i32_1 = arith.constant 0 : i32
    return %c0_i32, %c0_i32_0 : i32, i32
  }
  func.func @transform_9(%arg0: i32) -> (i32, i32) {
    %c0_i32 = arith.constant 0 : i32
    %c0_i32_0 = arith.constant 0 : i32
    return %arg0, %c0_i32 : i32, i32
  }
  func.func @transform_10(%arg0: i32) -> i32 {
    %c0_i32 = arith.constant 0 : i32
    return %arg0 : i32
  }
  func.func @transform_11(%arg0: i32) -> i32 {
    %c0_i32 = arith.constant 0 : i32
    %c0_i32_0 = arith.constant 0 : i32
    return %c0_i32 : i32
  }
}

module attributes {stable_mosaic.version = 14 : i64} {
  func.func @_dec_body(%arg0: i32, %arg1: memref<1024x512xf32, #tpu.memory_space<vmem>>, %arg2: memref<1024x128xf32, #tpu.memory_space<vmem>>, %arg3: memref<64x256xf32, #tpu.memory_space<vmem>>, %arg4: memref<1x256xf32, #tpu.memory_space<vmem>>, %arg5: memref<256x256xf32, #tpu.memory_space<vmem>>, %arg6: memref<1x256xf32, #tpu.memory_space<vmem>>, %arg7: memref<256x8xf32, #tpu.memory_space<vmem>>, %arg8: memref<1x8xf32, #tpu.memory_space<vmem>>, %arg9: memref<8x576x512xf32, #tpu.memory_space<vmem>>, %arg10: memref<8x512xf32, #tpu.memory_space<vmem>>, %arg11: memref<8x512x512xf32, #tpu.memory_space<vmem>>, %arg12: memref<8x512xf32, #tpu.memory_space<vmem>>, %arg13: memref<8x512x512xf32, #tpu.memory_space<vmem>>, %arg14: memref<8x512xf32, #tpu.memory_space<vmem>>, %arg15: memref<1024x512xf32, #tpu.memory_space<vmem>>) attributes {dimension_semantics = [#tpu.dimension_semantics<arbitrary>], iteration_bounds = array<i64: 4>, scalar_prefetch = 0 : i64, scratch_operands = 0 : i64, tpu.core_type = #tpu.core_type<tc>, window_params = [{transform_indices = @transform_0, window_bounds = array<i64: 1024, 512>}, {transform_indices = @transform_1, window_bounds = array<i64: 1024, 128>}, {pipeline_mode = #tpu.pipeline_mode<synchronous>, transform_indices = @transform_2, window_bounds = array<i64: 64, 256>}, {pipeline_mode = #tpu.pipeline_mode<synchronous>, transform_indices = @transform_3, window_bounds = array<i64: 1, 256>}, {pipeline_mode = #tpu.pipeline_mode<synchronous>, transform_indices = @transform_4, window_bounds = array<i64: 256, 256>}, {pipeline_mode = #tpu.pipeline_mode<synchronous>, transform_indices = @transform_5, window_bounds = array<i64: 1, 256>}, {pipeline_mode = #tpu.pipeline_mode<synchronous>, transform_indices = @transform_6, window_bounds = array<i64: 256, 8>}, {pipeline_mode = #tpu.pipeline_mode<synchronous>, transform_indices = @transform_7, window_bounds = array<i64: 1, 8>}, {pipeline_mode = #tpu.pipeline_mode<synchronous>, transform_indices = @transform_8, window_bounds = array<i64: 8, 576, 512>}, {pipeline_mode = #tpu.pipeline_mode<synchronous>, transform_indices = @transform_9, window_bounds = array<i64: 8, 512>}, {pipeline_mode = #tpu.pipeline_mode<synchronous>, transform_indices = @transform_10, window_bounds = array<i64: 8, 512, 512>}, {pipeline_mode = #tpu.pipeline_mode<synchronous>, transform_indices = @transform_11, window_bounds = array<i64: 8, 512>}, {pipeline_mode = #tpu.pipeline_mode<synchronous>, transform_indices = @transform_12, window_bounds = array<i64: 8, 512, 512>}, {pipeline_mode = #tpu.pipeline_mode<synchronous>, transform_indices = @transform_13, window_bounds = array<i64: 8, 512>}, {transform_indices = @transform_14, window_bounds = array<i64: 1024, 512>}]} {
    %get3A = arith.constant 0 : index
    %get3A_0 = arith.constant 0 : index
    %get3A_1 = vector.load %arg2[%get3A, %get3A_0] : memref<1024x128xf32, #tpu.memory_space<vmem>>, vector<1024x64xf32>
    %get3A_2 = arith.constant 0 : index
    %get3A_3 = arith.constant 0 : index
    %get3A_4 = vector.load %arg3[%get3A_2, %get3A_3] : memref<64x256xf32, #tpu.memory_space<vmem>>, vector<64x256xf32>
    %dot_general3A = arith.constant dense<0.000000e+00> : vector<1024x256xf32>
    %dot_general3A_5 = tpu.matmul %get3A_1, %get3A_4, %dot_general3A {dimension_numbers = #tpu.dot_dimension_numbers<[1], [0], [0], [1], [0, 0, 1, 1], [], []>, transpose_lhs_hint = false} : vector<1024x64xf32>, vector<64x256xf32>, vector<1024x256xf32> -> vector<1024x256xf32>
    %get3A_6 = arith.constant 0 : index
    %get3A_7 = arith.constant 0 : index
    %get3A_8 = vector.load %arg4[%get3A_6, %get3A_7] : memref<1x256xf32, #tpu.memory_space<vmem>>, vector<1x256xf32>
    %add3A = vector.broadcast %get3A_8 : vector<1x256xf32> to vector<1024x256xf32>
    %add3A_9 = arith.addf %dot_general3A_5, %add3A : vector<1024x256xf32>
    %gt3A = arith.constant 0.000000e+00 : f32
    %gt3A_10 = vector.broadcast %gt3A : f32 to vector<1024x256xf32>
    %gt3A_11 = arith.cmpf ogt, %add3A_9, %gt3A_10 : vector<1024x256xf32>
    %exp3A = math.exp %add3A_9 : vector<1024x256xf32>
    %sub3A = arith.constant 1.000000e+00 : f32
    %sub3A_12 = vector.broadcast %sub3A : f32 to vector<1024x256xf32>
    %sub3A_13 = arith.subf %exp3A, %sub3A_12 : vector<1024x256xf32>
    %select_n3A = arith.select %gt3A_11, %add3A_9, %sub3A_13 : vector<1024x256xi1>, vector<1024x256xf32>
    %get3A_14 = arith.constant 0 : index
    %get3A_15 = arith.constant 0 : index
    %get3A_16 = vector.load %arg5[%get3A_14, %get3A_15] : memref<256x256xf32, #tpu.memory_space<vmem>>, vector<256x256xf32>
    %dot_general3A_17 = arith.constant dense<0.000000e+00> : vector<1024x256xf32>
    %dot_general3A_18 = tpu.matmul %select_n3A, %get3A_16, %dot_general3A_17 {dimension_numbers = #tpu.dot_dimension_numbers<[1], [0], [0], [1], [0, 0, 1, 1], [], []>, transpose_lhs_hint = false} : vector<1024x256xf32>, vector<256x256xf32>, vector<1024x256xf32> -> vector<1024x256xf32>
    %get3A_19 = arith.constant 0 : index
    %get3A_20 = arith.constant 0 : index
    %get3A_21 = vector.load %arg6[%get3A_19, %get3A_20] : memref<1x256xf32, #tpu.memory_space<vmem>>, vector<1x256xf32>
    %add3A_22 = vector.broadcast %get3A_21 : vector<1x256xf32> to vector<1024x256xf32>
    %add3A_23 = arith.addf %dot_general3A_18, %add3A_22 : vector<1024x256xf32>
    %gt3A_24 = arith.constant 0.000000e+00 : f32
    %gt3A_25 = vector.broadcast %gt3A_24 : f32 to vector<1024x256xf32>
    %gt3A_26 = arith.cmpf ogt, %add3A_23, %gt3A_25 : vector<1024x256xf32>
    %exp3A_27 = math.exp %add3A_23 : vector<1024x256xf32>
    %sub3A_28 = arith.constant 1.000000e+00 : f32
    %sub3A_29 = vector.broadcast %sub3A_28 : f32 to vector<1024x256xf32>
    %sub3A_30 = arith.subf %exp3A_27, %sub3A_29 : vector<1024x256xf32>
    %select_n3A_31 = arith.select %gt3A_26, %add3A_23, %sub3A_30 : vector<1024x256xi1>, vector<1024x256xf32>
    %get3A_32 = arith.constant 0 : index
    %get3A_33 = arith.constant 0 : index
    %get3A_34 = vector.load %arg7[%get3A_32, %get3A_33] : memref<256x8xf32, #tpu.memory_space<vmem>>, vector<256x8xf32>
    %dot_general3A_35 = arith.constant dense<0.000000e+00> : vector<1024x8xf32>
    %dot_general3A_36 = tpu.matmul %select_n3A_31, %get3A_34, %dot_general3A_35 {dimension_numbers = #tpu.dot_dimension_numbers<[1], [0], [0], [1], [0, 0, 1, 1], [], []>, transpose_lhs_hint = false} : vector<1024x256xf32>, vector<256x8xf32>, vector<1024x8xf32> -> vector<1024x8xf32>
    %get3A_37 = arith.constant 0 : index
    %get3A_38 = arith.constant 0 : index
    %get3A_39 = vector.load %arg8[%get3A_37, %get3A_38] : memref<1x8xf32, #tpu.memory_space<vmem>>, vector<1x8xf32>
    %add3A_40 = vector.broadcast %get3A_39 : vector<1x8xf32> to vector<1024x8xf32>
    %add3A_41 = arith.addf %dot_general3A_36, %add3A_40 : vector<1024x8xf32>
    %reduce_max3A = arith.constant dense<0xFF800000> : vector<1024xf32>
    %reduce_max3A_42 = vector.multi_reduction <maximumf>, %add3A_41, %reduce_max3A [1] : vector<1024x8xf32> to vector<1024xf32>
    %broadcast_in_dim3A = vector.shape_cast %reduce_max3A_42 : vector<1024xf32> to vector<1024x1xf32>
    %sub3A_43 = vector.broadcast %broadcast_in_dim3A : vector<1024x1xf32> to vector<1024x8xf32>
    %sub3A_44 = arith.subf %add3A_41, %sub3A_43 : vector<1024x8xf32>
    %exp3A_45 = math.exp %sub3A_44 : vector<1024x8xf32>
    %reduce_sum3A = arith.constant dense<0.000000e+00> : vector<1024xf32>
    %reduce_sum3A_46 = vector.multi_reduction <add>, %exp3A_45, %reduce_sum3A [1] : vector<1024x8xf32> to vector<1024xf32>
    %broadcast_in_dim3A_47 = vector.shape_cast %reduce_sum3A_46 : vector<1024xf32> to vector<1024x1xf32>
    %div3A = vector.broadcast %broadcast_in_dim3A_47 : vector<1024x1xf32> to vector<1024x8xf32>
    %div3A_48 = arith.divf %exp3A_45, %div3A : vector<1024x8xf32>
    %get3A_49 = arith.constant 0 : index
    %get3A_50 = arith.constant 0 : index
    %get3A_51 = vector.load %arg1[%get3A_49, %get3A_50] : memref<1024x512xf32, #tpu.memory_space<vmem>>, vector<1024x512xf32>
    %concatenate3A = tpu.concatenate %get3A_51, %get3A_1 in 1 : vector<1024x512xf32>, vector<1024x64xf32> -> vector<1024x576xf32>
    %get3A_52 = arith.constant 0 : index
    %get3A_53 = arith.constant 0 : index
    %get3A_54 = vector.load %arg10[%get3A_52, %get3A_53] : memref<8x512xf32, #tpu.memory_space<vmem>>, vector<8x512xf32>
    %dot_general3A_55 = arith.constant dense<0.000000e+00> : vector<1024x512xf32>
    %dot_general3A_56 = tpu.matmul %div3A_48, %get3A_54, %dot_general3A_55 {dimension_numbers = #tpu.dot_dimension_numbers<[1], [0], [0], [1], [0, 0, 1, 1], [], []>, transpose_lhs_hint = false} : vector<1024x8xf32>, vector<8x512xf32>, vector<1024x512xf32> -> vector<1024x512xf32>
    %slice3A = vector.extract_strided_slice %div3A_48 {offsets = [0, 0], sizes = [1024, 1], strides = [1, 1]} : vector<1024x8xf32> to vector<1024x1xf32>
    %get3A_57 = arith.constant 0 : index
    %get3A_58 = arith.constant 0 : index
    %get3A_59 = arith.constant 0 : index
    %get3A_60 = vector.load %arg9[%get3A_57, %get3A_58, %get3A_59] : memref<8x576x512xf32, #tpu.memory_space<vmem>>, vector<1x576x512xf32>
    %get3A_61 = vector.shape_cast %get3A_60 : vector<1x576x512xf32> to vector<576x512xf32>
    %dot_general3A_62 = arith.constant dense<0.000000e+00> : vector<1024x512xf32>
    %dot_general3A_63 = tpu.matmul %concatenate3A, %get3A_61, %dot_general3A_62 {dimension_numbers = #tpu.dot_dimension_numbers<[1], [0], [0], [1], [0, 0, 1, 1], [], []>, transpose_lhs_hint = false} : vector<1024x576xf32>, vector<576x512xf32>, vector<1024x512xf32> -> vector<1024x512xf32>
    %mul3A = vector.broadcast %slice3A : vector<1024x1xf32> to vector<1024x512xf32>
    %mul3A_64 = arith.mulf %mul3A, %dot_general3A_63 : vector<1024x512xf32>
    %add3A_65 = arith.addf %dot_general3A_56, %mul3A_64 : vector<1024x512xf32>
    %slice3A_66 = vector.extract_strided_slice %div3A_48 {offsets = [0, 1], sizes = [1024, 1], strides = [1, 1]} : vector<1024x8xf32> to vector<1024x1xf32>
    %get3A_67 = arith.constant 1 : index
    %get3A_68 = arith.constant 0 : index
    %get3A_69 = arith.constant 0 : index
    %get3A_70 = vector.load %arg9[%get3A_67, %get3A_68, %get3A_69] : memref<8x576x512xf32, #tpu.memory_space<vmem>>, vector<1x576x512xf32>
    %get3A_71 = vector.shape_cast %get3A_70 : vector<1x576x512xf32> to vector<576x512xf32>
    %dot_general3A_72 = arith.constant dense<0.000000e+00> : vector<1024x512xf32>
    %dot_general3A_73 = tpu.matmul %concatenate3A, %get3A_71, %dot_general3A_72 {dimension_numbers = #tpu.dot_dimension_numbers<[1], [0], [0], [1], [0, 0, 1, 1], [], []>, transpose_lhs_hint = false} : vector<1024x576xf32>, vector<576x512xf32>, vector<1024x512xf32> -> vector<1024x512xf32>
    %mul3A_74 = vector.broadcast %slice3A_66 : vector<1024x1xf32> to vector<1024x512xf32>
    %mul3A_75 = arith.mulf %mul3A_74, %dot_general3A_73 : vector<1024x512xf32>
    %add3A_76 = arith.addf %add3A_65, %mul3A_75 : vector<1024x512xf32>
    %slice3A_77 = vector.extract_strided_slice %div3A_48 {offsets = [0, 2], sizes = [1024, 1], strides = [1, 1]} : vector<1024x8xf32> to vector<1024x1xf32>
    %get3A_78 = arith.constant 2 : index
    %get3A_79 = arith.constant 0 : index
    %get3A_80 = arith.constant 0 : index
    %get3A_81 = vector.load %arg9[%get3A_78, %get3A_79, %get3A_80] : memref<8x576x512xf32, #tpu.memory_space<vmem>>, vector<1x576x512xf32>
    %get3A_82 = vector.shape_cast %get3A_81 : vector<1x576x512xf32> to vector<576x512xf32>
    %dot_general3A_83 = arith.constant dense<0.000000e+00> : vector<1024x512xf32>
    %dot_general3A_84 = tpu.matmul %concatenate3A, %get3A_82, %dot_general3A_83 {dimension_numbers = #tpu.dot_dimension_numbers<[1], [0], [0], [1], [0, 0, 1, 1], [], []>, transpose_lhs_hint = false} : vector<1024x576xf32>, vector<576x512xf32>, vector<1024x512xf32> -> vector<1024x512xf32>
    %mul3A_85 = vector.broadcast %slice3A_77 : vector<1024x1xf32> to vector<1024x512xf32>
    %mul3A_86 = arith.mulf %mul3A_85, %dot_general3A_84 : vector<1024x512xf32>
    %add3A_87 = arith.addf %add3A_76, %mul3A_86 : vector<1024x512xf32>
    %slice3A_88 = vector.extract_strided_slice %div3A_48 {offsets = [0, 3], sizes = [1024, 1], strides = [1, 1]} : vector<1024x8xf32> to vector<1024x1xf32>
    %get3A_89 = arith.constant 3 : index
    %get3A_90 = arith.constant 0 : index
    %get3A_91 = arith.constant 0 : index
    %get3A_92 = vector.load %arg9[%get3A_89, %get3A_90, %get3A_91] : memref<8x576x512xf32, #tpu.memory_space<vmem>>, vector<1x576x512xf32>
    %get3A_93 = vector.shape_cast %get3A_92 : vector<1x576x512xf32> to vector<576x512xf32>
    %dot_general3A_94 = arith.constant dense<0.000000e+00> : vector<1024x512xf32>
    %dot_general3A_95 = tpu.matmul %concatenate3A, %get3A_93, %dot_general3A_94 {dimension_numbers = #tpu.dot_dimension_numbers<[1], [0], [0], [1], [0, 0, 1, 1], [], []>, transpose_lhs_hint = false} : vector<1024x576xf32>, vector<576x512xf32>, vector<1024x512xf32> -> vector<1024x512xf32>
    %mul3A_96 = vector.broadcast %slice3A_88 : vector<1024x1xf32> to vector<1024x512xf32>
    %mul3A_97 = arith.mulf %mul3A_96, %dot_general3A_95 : vector<1024x512xf32>
    %add3A_98 = arith.addf %add3A_87, %mul3A_97 : vector<1024x512xf32>
    %slice3A_99 = vector.extract_strided_slice %div3A_48 {offsets = [0, 4], sizes = [1024, 1], strides = [1, 1]} : vector<1024x8xf32> to vector<1024x1xf32>
    %get3A_100 = arith.constant 4 : index
    %get3A_101 = arith.constant 0 : index
    %get3A_102 = arith.constant 0 : index
    %get3A_103 = vector.load %arg9[%get3A_100, %get3A_101, %get3A_102] : memref<8x576x512xf32, #tpu.memory_space<vmem>>, vector<1x576x512xf32>
    %get3A_104 = vector.shape_cast %get3A_103 : vector<1x576x512xf32> to vector<576x512xf32>
    %dot_general3A_105 = arith.constant dense<0.000000e+00> : vector<1024x512xf32>
    %dot_general3A_106 = tpu.matmul %concatenate3A, %get3A_104, %dot_general3A_105 {dimension_numbers = #tpu.dot_dimension_numbers<[1], [0], [0], [1], [0, 0, 1, 1], [], []>, transpose_lhs_hint = false} : vector<1024x576xf32>, vector<576x512xf32>, vector<1024x512xf32> -> vector<1024x512xf32>
    %mul3A_107 = vector.broadcast %slice3A_99 : vector<1024x1xf32> to vector<1024x512xf32>
    %mul3A_108 = arith.mulf %mul3A_107, %dot_general3A_106 : vector<1024x512xf32>
    %add3A_109 = arith.addf %add3A_98, %mul3A_108 : vector<1024x512xf32>
    %slice3A_110 = vector.extract_strided_slice %div3A_48 {offsets = [0, 5], sizes = [1024, 1], strides = [1, 1]} : vector<1024x8xf32> to vector<1024x1xf32>
    %get3A_111 = arith.constant 5 : index
    %get3A_112 = arith.constant 0 : index
    %get3A_113 = arith.constant 0 : index
    %get3A_114 = vector.load %arg9[%get3A_111, %get3A_112, %get3A_113] : memref<8x576x512xf32, #tpu.memory_space<vmem>>, vector<1x576x512xf32>
    %get3A_115 = vector.shape_cast %get3A_114 : vector<1x576x512xf32> to vector<576x512xf32>
    %dot_general3A_116 = arith.constant dense<0.000000e+00> : vector<1024x512xf32>
    %dot_general3A_117 = tpu.matmul %concatenate3A, %get3A_115, %dot_general3A_116 {dimension_numbers = #tpu.dot_dimension_numbers<[1], [0], [0], [1], [0, 0, 1, 1], [], []>, transpose_lhs_hint = false} : vector<1024x576xf32>, vector<576x512xf32>, vector<1024x512xf32> -> vector<1024x512xf32>
    %mul3A_118 = vector.broadcast %slice3A_110 : vector<1024x1xf32> to vector<1024x512xf32>
    %mul3A_119 = arith.mulf %mul3A_118, %dot_general3A_117 : vector<1024x512xf32>
    %add3A_120 = arith.addf %add3A_109, %mul3A_119 : vector<1024x512xf32>
    %slice3A_121 = vector.extract_strided_slice %div3A_48 {offsets = [0, 6], sizes = [1024, 1], strides = [1, 1]} : vector<1024x8xf32> to vector<1024x1xf32>
    %get3A_122 = arith.constant 6 : index
    %get3A_123 = arith.constant 0 : index
    %get3A_124 = arith.constant 0 : index
    %get3A_125 = vector.load %arg9[%get3A_122, %get3A_123, %get3A_124] : memref<8x576x512xf32, #tpu.memory_space<vmem>>, vector<1x576x512xf32>
    %get3A_126 = vector.shape_cast %get3A_125 : vector<1x576x512xf32> to vector<576x512xf32>
    %dot_general3A_127 = arith.constant dense<0.000000e+00> : vector<1024x512xf32>
    %dot_general3A_128 = tpu.matmul %concatenate3A, %get3A_126, %dot_general3A_127 {dimension_numbers = #tpu.dot_dimension_numbers<[1], [0], [0], [1], [0, 0, 1, 1], [], []>, transpose_lhs_hint = false} : vector<1024x576xf32>, vector<576x512xf32>, vector<1024x512xf32> -> vector<1024x512xf32>
    %mul3A_129 = vector.broadcast %slice3A_121 : vector<1024x1xf32> to vector<1024x512xf32>
    %mul3A_130 = arith.mulf %mul3A_129, %dot_general3A_128 : vector<1024x512xf32>
    %add3A_131 = arith.addf %add3A_120, %mul3A_130 : vector<1024x512xf32>
    %slice3A_132 = vector.extract_strided_slice %div3A_48 {offsets = [0, 7], sizes = [1024, 1], strides = [1, 1]} : vector<1024x8xf32> to vector<1024x1xf32>
    %get3A_133 = arith.constant 7 : index
    %get3A_134 = arith.constant 0 : index
    %get3A_135 = arith.constant 0 : index
    %get3A_136 = vector.load %arg9[%get3A_133, %get3A_134, %get3A_135] : memref<8x576x512xf32, #tpu.memory_space<vmem>>, vector<1x576x512xf32>
    %get3A_137 = vector.shape_cast %get3A_136 : vector<1x576x512xf32> to vector<576x512xf32>
    %dot_general3A_138 = arith.constant dense<0.000000e+00> : vector<1024x512xf32>
    %dot_general3A_139 = tpu.matmul %concatenate3A, %get3A_137, %dot_general3A_138 {dimension_numbers = #tpu.dot_dimension_numbers<[1], [0], [0], [1], [0, 0, 1, 1], [], []>, transpose_lhs_hint = false} : vector<1024x576xf32>, vector<576x512xf32>, vector<1024x512xf32> -> vector<1024x512xf32>
    %mul3A_140 = vector.broadcast %slice3A_132 : vector<1024x1xf32> to vector<1024x512xf32>
    %mul3A_141 = arith.mulf %mul3A_140, %dot_general3A_139 : vector<1024x512xf32>
    %add3A_142 = arith.addf %add3A_131, %mul3A_141 : vector<1024x512xf32>
    %gt3A_143 = arith.constant 0.000000e+00 : f32
    %gt3A_144 = vector.broadcast %gt3A_143 : f32 to vector<1024x512xf32>
    %gt3A_145 = arith.cmpf ogt, %add3A_142, %gt3A_144 : vector<1024x512xf32>
    %exp3A_146 = math.exp %add3A_142 : vector<1024x512xf32>
    %sub3A_147 = arith.constant 1.000000e+00 : f32
    %sub3A_148 = vector.broadcast %sub3A_147 : f32 to vector<1024x512xf32>
    %sub3A_149 = arith.subf %exp3A_146, %sub3A_148 : vector<1024x512xf32>
    %select_n3A_150 = arith.select %gt3A_145, %add3A_142, %sub3A_149 : vector<1024x512xi1>, vector<1024x512xf32>
    %get3A_151 = arith.constant 0 : index
    %get3A_152 = arith.constant 0 : index
    %get3A_153 = vector.load %arg12[%get3A_151, %get3A_152] : memref<8x512xf32, #tpu.memory_space<vmem>>, vector<8x512xf32>
    %dot_general3A_154 = arith.constant dense<0.000000e+00> : vector<1024x512xf32>
    %dot_general3A_155 = tpu.matmul %div3A_48, %get3A_153, %dot_general3A_154 {dimension_numbers = #tpu.dot_dimension_numbers<[1], [0], [0], [1], [0, 0, 1, 1], [], []>, transpose_lhs_hint = false} : vector<1024x8xf32>, vector<8x512xf32>, vector<1024x512xf32> -> vector<1024x512xf32>
    %slice3A_156 = vector.extract_strided_slice %div3A_48 {offsets = [0, 0], sizes = [1024, 1], strides = [1, 1]} : vector<1024x8xf32> to vector<1024x1xf32>
    %get3A_157 = arith.constant 0 : index
    %get3A_158 = arith.constant 0 : index
    %get3A_159 = arith.constant 0 : index
    %get3A_160 = vector.load %arg11[%get3A_157, %get3A_158, %get3A_159] : memref<8x512x512xf32, #tpu.memory_space<vmem>>, vector<1x512x512xf32>
    %get3A_161 = vector.shape_cast %get3A_160 : vector<1x512x512xf32> to vector<512x512xf32>
    %dot_general3A_162 = arith.constant dense<0.000000e+00> : vector<1024x512xf32>
    %dot_general3A_163 = tpu.matmul %select_n3A_150, %get3A_161, %dot_general3A_162 {dimension_numbers = #tpu.dot_dimension_numbers<[1], [0], [0], [1], [0, 0, 1, 1], [], []>, transpose_lhs_hint = false} : vector<1024x512xf32>, vector<512x512xf32>, vector<1024x512xf32> -> vector<1024x512xf32>
    %mul3A_164 = vector.broadcast %slice3A_156 : vector<1024x1xf32> to vector<1024x512xf32>
    %mul3A_165 = arith.mulf %mul3A_164, %dot_general3A_163 : vector<1024x512xf32>
    %add3A_166 = arith.addf %dot_general3A_155, %mul3A_165 : vector<1024x512xf32>
    %slice3A_167 = vector.extract_strided_slice %div3A_48 {offsets = [0, 1], sizes = [1024, 1], strides = [1, 1]} : vector<1024x8xf32> to vector<1024x1xf32>
    %get3A_168 = arith.constant 1 : index
    %get3A_169 = arith.constant 0 : index
    %get3A_170 = arith.constant 0 : index
    %get3A_171 = vector.load %arg11[%get3A_168, %get3A_169, %get3A_170] : memref<8x512x512xf32, #tpu.memory_space<vmem>>, vector<1x512x512xf32>
    %get3A_172 = vector.shape_cast %get3A_171 : vector<1x512x512xf32> to vector<512x512xf32>
    %dot_general3A_173 = arith.constant dense<0.000000e+00> : vector<1024x512xf32>
    %dot_general3A_174 = tpu.matmul %select_n3A_150, %get3A_172, %dot_general3A_173 {dimension_numbers = #tpu.dot_dimension_numbers<[1], [0], [0], [1], [0, 0, 1, 1], [], []>, transpose_lhs_hint = false} : vector<1024x512xf32>, vector<512x512xf32>, vector<1024x512xf32> -> vector<1024x512xf32>
    %mul3A_175 = vector.broadcast %slice3A_167 : vector<1024x1xf32> to vector<1024x512xf32>
    %mul3A_176 = arith.mulf %mul3A_175, %dot_general3A_174 : vector<1024x512xf32>
    %add3A_177 = arith.addf %add3A_166, %mul3A_176 : vector<1024x512xf32>
    %slice3A_178 = vector.extract_strided_slice %div3A_48 {offsets = [0, 2], sizes = [1024, 1], strides = [1, 1]} : vector<1024x8xf32> to vector<1024x1xf32>
    %get3A_179 = arith.constant 2 : index
    %get3A_180 = arith.constant 0 : index
    %get3A_181 = arith.constant 0 : index
    %get3A_182 = vector.load %arg11[%get3A_179, %get3A_180, %get3A_181] : memref<8x512x512xf32, #tpu.memory_space<vmem>>, vector<1x512x512xf32>
    %get3A_183 = vector.shape_cast %get3A_182 : vector<1x512x512xf32> to vector<512x512xf32>
    %dot_general3A_184 = arith.constant dense<0.000000e+00> : vector<1024x512xf32>
    %dot_general3A_185 = tpu.matmul %select_n3A_150, %get3A_183, %dot_general3A_184 {dimension_numbers = #tpu.dot_dimension_numbers<[1], [0], [0], [1], [0, 0, 1, 1], [], []>, transpose_lhs_hint = false} : vector<1024x512xf32>, vector<512x512xf32>, vector<1024x512xf32> -> vector<1024x512xf32>
    %mul3A_186 = vector.broadcast %slice3A_178 : vector<1024x1xf32> to vector<1024x512xf32>
    %mul3A_187 = arith.mulf %mul3A_186, %dot_general3A_185 : vector<1024x512xf32>
    %add3A_188 = arith.addf %add3A_177, %mul3A_187 : vector<1024x512xf32>
    %slice3A_189 = vector.extract_strided_slice %div3A_48 {offsets = [0, 3], sizes = [1024, 1], strides = [1, 1]} : vector<1024x8xf32> to vector<1024x1xf32>
    %get3A_190 = arith.constant 3 : index
    %get3A_191 = arith.constant 0 : index
    %get3A_192 = arith.constant 0 : index
    %get3A_193 = vector.load %arg11[%get3A_190, %get3A_191, %get3A_192] : memref<8x512x512xf32, #tpu.memory_space<vmem>>, vector<1x512x512xf32>
    %get3A_194 = vector.shape_cast %get3A_193 : vector<1x512x512xf32> to vector<512x512xf32>
    %dot_general3A_195 = arith.constant dense<0.000000e+00> : vector<1024x512xf32>
    %dot_general3A_196 = tpu.matmul %select_n3A_150, %get3A_194, %dot_general3A_195 {dimension_numbers = #tpu.dot_dimension_numbers<[1], [0], [0], [1], [0, 0, 1, 1], [], []>, transpose_lhs_hint = false} : vector<1024x512xf32>, vector<512x512xf32>, vector<1024x512xf32> -> vector<1024x512xf32>
    %mul3A_197 = vector.broadcast %slice3A_189 : vector<1024x1xf32> to vector<1024x512xf32>
    %mul3A_198 = arith.mulf %mul3A_197, %dot_general3A_196 : vector<1024x512xf32>
    %add3A_199 = arith.addf %add3A_188, %mul3A_198 : vector<1024x512xf32>
    %slice3A_200 = vector.extract_strided_slice %div3A_48 {offsets = [0, 4], sizes = [1024, 1], strides = [1, 1]} : vector<1024x8xf32> to vector<1024x1xf32>
    %get3A_201 = arith.constant 4 : index
    %get3A_202 = arith.constant 0 : index
    %get3A_203 = arith.constant 0 : index
    %get3A_204 = vector.load %arg11[%get3A_201, %get3A_202, %get3A_203] : memref<8x512x512xf32, #tpu.memory_space<vmem>>, vector<1x512x512xf32>
    %get3A_205 = vector.shape_cast %get3A_204 : vector<1x512x512xf32> to vector<512x512xf32>
    %dot_general3A_206 = arith.constant dense<0.000000e+00> : vector<1024x512xf32>
    %dot_general3A_207 = tpu.matmul %select_n3A_150, %get3A_205, %dot_general3A_206 {dimension_numbers = #tpu.dot_dimension_numbers<[1], [0], [0], [1], [0, 0, 1, 1], [], []>, transpose_lhs_hint = false} : vector<1024x512xf32>, vector<512x512xf32>, vector<1024x512xf32> -> vector<1024x512xf32>
    %mul3A_208 = vector.broadcast %slice3A_200 : vector<1024x1xf32> to vector<1024x512xf32>
    %mul3A_209 = arith.mulf %mul3A_208, %dot_general3A_207 : vector<1024x512xf32>
    %add3A_210 = arith.addf %add3A_199, %mul3A_209 : vector<1024x512xf32>
    %slice3A_211 = vector.extract_strided_slice %div3A_48 {offsets = [0, 5], sizes = [1024, 1], strides = [1, 1]} : vector<1024x8xf32> to vector<1024x1xf32>
    %get3A_212 = arith.constant 5 : index
    %get3A_213 = arith.constant 0 : index
    %get3A_214 = arith.constant 0 : index
    %get3A_215 = vector.load %arg11[%get3A_212, %get3A_213, %get3A_214] : memref<8x512x512xf32, #tpu.memory_space<vmem>>, vector<1x512x512xf32>
    %get3A_216 = vector.shape_cast %get3A_215 : vector<1x512x512xf32> to vector<512x512xf32>
    %dot_general3A_217 = arith.constant dense<0.000000e+00> : vector<1024x512xf32>
    %dot_general3A_218 = tpu.matmul %select_n3A_150, %get3A_216, %dot_general3A_217 {dimension_numbers = #tpu.dot_dimension_numbers<[1], [0], [0], [1], [0, 0, 1, 1], [], []>, transpose_lhs_hint = false} : vector<1024x512xf32>, vector<512x512xf32>, vector<1024x512xf32> -> vector<1024x512xf32>
    %mul3A_219 = vector.broadcast %slice3A_211 : vector<1024x1xf32> to vector<1024x512xf32>
    %mul3A_220 = arith.mulf %mul3A_219, %dot_general3A_218 : vector<1024x512xf32>
    %add3A_221 = arith.addf %add3A_210, %mul3A_220 : vector<1024x512xf32>
    %slice3A_222 = vector.extract_strided_slice %div3A_48 {offsets = [0, 6], sizes = [1024, 1], strides = [1, 1]} : vector<1024x8xf32> to vector<1024x1xf32>
    %get3A_223 = arith.constant 6 : index
    %get3A_224 = arith.constant 0 : index
    %get3A_225 = arith.constant 0 : index
    %get3A_226 = vector.load %arg11[%get3A_223, %get3A_224, %get3A_225] : memref<8x512x512xf32, #tpu.memory_space<vmem>>, vector<1x512x512xf32>
    %get3A_227 = vector.shape_cast %get3A_226 : vector<1x512x512xf32> to vector<512x512xf32>
    %dot_general3A_228 = arith.constant dense<0.000000e+00> : vector<1024x512xf32>
    %dot_general3A_229 = tpu.matmul %select_n3A_150, %get3A_227, %dot_general3A_228 {dimension_numbers = #tpu.dot_dimension_numbers<[1], [0], [0], [1], [0, 0, 1, 1], [], []>, transpose_lhs_hint = false} : vector<1024x512xf32>, vector<512x512xf32>, vector<1024x512xf32> -> vector<1024x512xf32>
    %mul3A_230 = vector.broadcast %slice3A_222 : vector<1024x1xf32> to vector<1024x512xf32>
    %mul3A_231 = arith.mulf %mul3A_230, %dot_general3A_229 : vector<1024x512xf32>
    %add3A_232 = arith.addf %add3A_221, %mul3A_231 : vector<1024x512xf32>
    %slice3A_233 = vector.extract_strided_slice %div3A_48 {offsets = [0, 7], sizes = [1024, 1], strides = [1, 1]} : vector<1024x8xf32> to vector<1024x1xf32>
    %get3A_234 = arith.constant 7 : index
    %get3A_235 = arith.constant 0 : index
    %get3A_236 = arith.constant 0 : index
    %get3A_237 = vector.load %arg11[%get3A_234, %get3A_235, %get3A_236] : memref<8x512x512xf32, #tpu.memory_space<vmem>>, vector<1x512x512xf32>
    %get3A_238 = vector.shape_cast %get3A_237 : vector<1x512x512xf32> to vector<512x512xf32>
    %dot_general3A_239 = arith.constant dense<0.000000e+00> : vector<1024x512xf32>
    %dot_general3A_240 = tpu.matmul %select_n3A_150, %get3A_238, %dot_general3A_239 {dimension_numbers = #tpu.dot_dimension_numbers<[1], [0], [0], [1], [0, 0, 1, 1], [], []>, transpose_lhs_hint = false} : vector<1024x512xf32>, vector<512x512xf32>, vector<1024x512xf32> -> vector<1024x512xf32>
    %mul3A_241 = vector.broadcast %slice3A_233 : vector<1024x1xf32> to vector<1024x512xf32>
    %mul3A_242 = arith.mulf %mul3A_241, %dot_general3A_240 : vector<1024x512xf32>
    %add3A_243 = arith.addf %add3A_232, %mul3A_242 : vector<1024x512xf32>
    %gt3A_244 = arith.constant 0.000000e+00 : f32
    %gt3A_245 = vector.broadcast %gt3A_244 : f32 to vector<1024x512xf32>
    %gt3A_246 = arith.cmpf ogt, %add3A_243, %gt3A_245 : vector<1024x512xf32>
    %exp3A_247 = math.exp %add3A_243 : vector<1024x512xf32>
    %sub3A_248 = arith.constant 1.000000e+00 : f32
    %sub3A_249 = vector.broadcast %sub3A_248 : f32 to vector<1024x512xf32>
    %sub3A_250 = arith.subf %exp3A_247, %sub3A_249 : vector<1024x512xf32>
    %select_n3A_251 = arith.select %gt3A_246, %add3A_243, %sub3A_250 : vector<1024x512xi1>, vector<1024x512xf32>
    %get3A_252 = arith.constant 0 : index
    %get3A_253 = arith.constant 0 : index
    %get3A_254 = vector.load %arg14[%get3A_252, %get3A_253] : memref<8x512xf32, #tpu.memory_space<vmem>>, vector<8x512xf32>
    %dot_general3A_255 = arith.constant dense<0.000000e+00> : vector<1024x512xf32>
    %dot_general3A_256 = tpu.matmul %div3A_48, %get3A_254, %dot_general3A_255 {dimension_numbers = #tpu.dot_dimension_numbers<[1], [0], [0], [1], [0, 0, 1, 1], [], []>, transpose_lhs_hint = false} : vector<1024x8xf32>, vector<8x512xf32>, vector<1024x512xf32> -> vector<1024x512xf32>
    %slice3A_257 = vector.extract_strided_slice %div3A_48 {offsets = [0, 0], sizes = [1024, 1], strides = [1, 1]} : vector<1024x8xf32> to vector<1024x1xf32>
    %get3A_258 = arith.constant 0 : index
    %get3A_259 = arith.constant 0 : index
    %get3A_260 = arith.constant 0 : index
    %get3A_261 = vector.load %arg13[%get3A_258, %get3A_259, %get3A_260] : memref<8x512x512xf32, #tpu.memory_space<vmem>>, vector<1x512x512xf32>
    %get3A_262 = vector.shape_cast %get3A_261 : vector<1x512x512xf32> to vector<512x512xf32>
    %dot_general3A_263 = arith.constant dense<0.000000e+00> : vector<1024x512xf32>
    %dot_general3A_264 = tpu.matmul %select_n3A_251, %get3A_262, %dot_general3A_263 {dimension_numbers = #tpu.dot_dimension_numbers<[1], [0], [0], [1], [0, 0, 1, 1], [], []>, transpose_lhs_hint = false} : vector<1024x512xf32>, vector<512x512xf32>, vector<1024x512xf32> -> vector<1024x512xf32>
    %mul3A_265 = vector.broadcast %slice3A_257 : vector<1024x1xf32> to vector<1024x512xf32>
    %mul3A_266 = arith.mulf %mul3A_265, %dot_general3A_264 : vector<1024x512xf32>
    %add3A_267 = arith.addf %dot_general3A_256, %mul3A_266 : vector<1024x512xf32>
    %slice3A_268 = vector.extract_strided_slice %div3A_48 {offsets = [0, 1], sizes = [1024, 1], strides = [1, 1]} : vector<1024x8xf32> to vector<1024x1xf32>
    %get3A_269 = arith.constant 1 : index
    %get3A_270 = arith.constant 0 : index
    %get3A_271 = arith.constant 0 : index
    %get3A_272 = vector.load %arg13[%get3A_269, %get3A_270, %get3A_271] : memref<8x512x512xf32, #tpu.memory_space<vmem>>, vector<1x512x512xf32>
    %get3A_273 = vector.shape_cast %get3A_272 : vector<1x512x512xf32> to vector<512x512xf32>
    %dot_general3A_274 = arith.constant dense<0.000000e+00> : vector<1024x512xf32>
    %dot_general3A_275 = tpu.matmul %select_n3A_251, %get3A_273, %dot_general3A_274 {dimension_numbers = #tpu.dot_dimension_numbers<[1], [0], [0], [1], [0, 0, 1, 1], [], []>, transpose_lhs_hint = false} : vector<1024x512xf32>, vector<512x512xf32>, vector<1024x512xf32> -> vector<1024x512xf32>
    %mul3A_276 = vector.broadcast %slice3A_268 : vector<1024x1xf32> to vector<1024x512xf32>
    %mul3A_277 = arith.mulf %mul3A_276, %dot_general3A_275 : vector<1024x512xf32>
    %add3A_278 = arith.addf %add3A_267, %mul3A_277 : vector<1024x512xf32>
    %slice3A_279 = vector.extract_strided_slice %div3A_48 {offsets = [0, 2], sizes = [1024, 1], strides = [1, 1]} : vector<1024x8xf32> to vector<1024x1xf32>
    %get3A_280 = arith.constant 2 : index
    %get3A_281 = arith.constant 0 : index
    %get3A_282 = arith.constant 0 : index
    %get3A_283 = vector.load %arg13[%get3A_280, %get3A_281, %get3A_282] : memref<8x512x512xf32, #tpu.memory_space<vmem>>, vector<1x512x512xf32>
    %get3A_284 = vector.shape_cast %get3A_283 : vector<1x512x512xf32> to vector<512x512xf32>
    %dot_general3A_285 = arith.constant dense<0.000000e+00> : vector<1024x512xf32>
    %dot_general3A_286 = tpu.matmul %select_n3A_251, %get3A_284, %dot_general3A_285 {dimension_numbers = #tpu.dot_dimension_numbers<[1], [0], [0], [1], [0, 0, 1, 1], [], []>, transpose_lhs_hint = false} : vector<1024x512xf32>, vector<512x512xf32>, vector<1024x512xf32> -> vector<1024x512xf32>
    %mul3A_287 = vector.broadcast %slice3A_279 : vector<1024x1xf32> to vector<1024x512xf32>
    %mul3A_288 = arith.mulf %mul3A_287, %dot_general3A_286 : vector<1024x512xf32>
    %add3A_289 = arith.addf %add3A_278, %mul3A_288 : vector<1024x512xf32>
    %slice3A_290 = vector.extract_strided_slice %div3A_48 {offsets = [0, 3], sizes = [1024, 1], strides = [1, 1]} : vector<1024x8xf32> to vector<1024x1xf32>
    %get3A_291 = arith.constant 3 : index
    %get3A_292 = arith.constant 0 : index
    %get3A_293 = arith.constant 0 : index
    %get3A_294 = vector.load %arg13[%get3A_291, %get3A_292, %get3A_293] : memref<8x512x512xf32, #tpu.memory_space<vmem>>, vector<1x512x512xf32>
    %get3A_295 = vector.shape_cast %get3A_294 : vector<1x512x512xf32> to vector<512x512xf32>
    %dot_general3A_296 = arith.constant dense<0.000000e+00> : vector<1024x512xf32>
    %dot_general3A_297 = tpu.matmul %select_n3A_251, %get3A_295, %dot_general3A_296 {dimension_numbers = #tpu.dot_dimension_numbers<[1], [0], [0], [1], [0, 0, 1, 1], [], []>, transpose_lhs_hint = false} : vector<1024x512xf32>, vector<512x512xf32>, vector<1024x512xf32> -> vector<1024x512xf32>
    %mul3A_298 = vector.broadcast %slice3A_290 : vector<1024x1xf32> to vector<1024x512xf32>
    %mul3A_299 = arith.mulf %mul3A_298, %dot_general3A_297 : vector<1024x512xf32>
    %add3A_300 = arith.addf %add3A_289, %mul3A_299 : vector<1024x512xf32>
    %slice3A_301 = vector.extract_strided_slice %div3A_48 {offsets = [0, 4], sizes = [1024, 1], strides = [1, 1]} : vector<1024x8xf32> to vector<1024x1xf32>
    %get3A_302 = arith.constant 4 : index
    %get3A_303 = arith.constant 0 : index
    %get3A_304 = arith.constant 0 : index
    %get3A_305 = vector.load %arg13[%get3A_302, %get3A_303, %get3A_304] : memref<8x512x512xf32, #tpu.memory_space<vmem>>, vector<1x512x512xf32>
    %get3A_306 = vector.shape_cast %get3A_305 : vector<1x512x512xf32> to vector<512x512xf32>
    %dot_general3A_307 = arith.constant dense<0.000000e+00> : vector<1024x512xf32>
    %dot_general3A_308 = tpu.matmul %select_n3A_251, %get3A_306, %dot_general3A_307 {dimension_numbers = #tpu.dot_dimension_numbers<[1], [0], [0], [1], [0, 0, 1, 1], [], []>, transpose_lhs_hint = false} : vector<1024x512xf32>, vector<512x512xf32>, vector<1024x512xf32> -> vector<1024x512xf32>
    %mul3A_309 = vector.broadcast %slice3A_301 : vector<1024x1xf32> to vector<1024x512xf32>
    %mul3A_310 = arith.mulf %mul3A_309, %dot_general3A_308 : vector<1024x512xf32>
    %add3A_311 = arith.addf %add3A_300, %mul3A_310 : vector<1024x512xf32>
    %slice3A_312 = vector.extract_strided_slice %div3A_48 {offsets = [0, 5], sizes = [1024, 1], strides = [1, 1]} : vector<1024x8xf32> to vector<1024x1xf32>
    %get3A_313 = arith.constant 5 : index
    %get3A_314 = arith.constant 0 : index
    %get3A_315 = arith.constant 0 : index
    %get3A_316 = vector.load %arg13[%get3A_313, %get3A_314, %get3A_315] : memref<8x512x512xf32, #tpu.memory_space<vmem>>, vector<1x512x512xf32>
    %get3A_317 = vector.shape_cast %get3A_316 : vector<1x512x512xf32> to vector<512x512xf32>
    %dot_general3A_318 = arith.constant dense<0.000000e+00> : vector<1024x512xf32>
    %dot_general3A_319 = tpu.matmul %select_n3A_251, %get3A_317, %dot_general3A_318 {dimension_numbers = #tpu.dot_dimension_numbers<[1], [0], [0], [1], [0, 0, 1, 1], [], []>, transpose_lhs_hint = false} : vector<1024x512xf32>, vector<512x512xf32>, vector<1024x512xf32> -> vector<1024x512xf32>
    %mul3A_320 = vector.broadcast %slice3A_312 : vector<1024x1xf32> to vector<1024x512xf32>
    %mul3A_321 = arith.mulf %mul3A_320, %dot_general3A_319 : vector<1024x512xf32>
    %add3A_322 = arith.addf %add3A_311, %mul3A_321 : vector<1024x512xf32>
    %slice3A_323 = vector.extract_strided_slice %div3A_48 {offsets = [0, 6], sizes = [1024, 1], strides = [1, 1]} : vector<1024x8xf32> to vector<1024x1xf32>
    %get3A_324 = arith.constant 6 : index
    %get3A_325 = arith.constant 0 : index
    %get3A_326 = arith.constant 0 : index
    %get3A_327 = vector.load %arg13[%get3A_324, %get3A_325, %get3A_326] : memref<8x512x512xf32, #tpu.memory_space<vmem>>, vector<1x512x512xf32>
    %get3A_328 = vector.shape_cast %get3A_327 : vector<1x512x512xf32> to vector<512x512xf32>
    %dot_general3A_329 = arith.constant dense<0.000000e+00> : vector<1024x512xf32>
    %dot_general3A_330 = tpu.matmul %select_n3A_251, %get3A_328, %dot_general3A_329 {dimension_numbers = #tpu.dot_dimension_numbers<[1], [0], [0], [1], [0, 0, 1, 1], [], []>, transpose_lhs_hint = false} : vector<1024x512xf32>, vector<512x512xf32>, vector<1024x512xf32> -> vector<1024x512xf32>
    %mul3A_331 = vector.broadcast %slice3A_323 : vector<1024x1xf32> to vector<1024x512xf32>
    %mul3A_332 = arith.mulf %mul3A_331, %dot_general3A_330 : vector<1024x512xf32>
    %add3A_333 = arith.addf %add3A_322, %mul3A_332 : vector<1024x512xf32>
    %slice3A_334 = vector.extract_strided_slice %div3A_48 {offsets = [0, 7], sizes = [1024, 1], strides = [1, 1]} : vector<1024x8xf32> to vector<1024x1xf32>
    %get3A_335 = arith.constant 7 : index
    %get3A_336 = arith.constant 0 : index
    %get3A_337 = arith.constant 0 : index
    %get3A_338 = vector.load %arg13[%get3A_335, %get3A_336, %get3A_337] : memref<8x512x512xf32, #tpu.memory_space<vmem>>, vector<1x512x512xf32>
    %get3A_339 = vector.shape_cast %get3A_338 : vector<1x512x512xf32> to vector<512x512xf32>
    %dot_general3A_340 = arith.constant dense<0.000000e+00> : vector<1024x512xf32>
    %dot_general3A_341 = tpu.matmul %select_n3A_251, %get3A_339, %dot_general3A_340 {dimension_numbers = #tpu.dot_dimension_numbers<[1], [0], [0], [1], [0, 0, 1, 1], [], []>, transpose_lhs_hint = false} : vector<1024x512xf32>, vector<512x512xf32>, vector<1024x512xf32> -> vector<1024x512xf32>
    %mul3A_342 = vector.broadcast %slice3A_334 : vector<1024x1xf32> to vector<1024x512xf32>
    %mul3A_343 = arith.mulf %mul3A_342, %dot_general3A_341 : vector<1024x512xf32>
    %add3A_344 = arith.addf %add3A_333, %mul3A_343 : vector<1024x512xf32>
    %swap3A = arith.constant 0 : index
    %swap3A_345 = arith.constant 0 : index
    %swap3A_346 = vector.load %arg15[%swap3A, %swap3A_345] : memref<1024x512xf32, #tpu.memory_space<vmem>>, vector<1024x512xf32>
    tpu.vector_store %arg15[%swap3A, %swap3A_345], %add3A_344 {strides = array<i32>} : memref<1024x512xf32, #tpu.memory_space<vmem>>, vector<1024x512xf32>,
    return
  }
  func.func @transform_0(%arg0: i32) -> (i32, i32) {
    %c0_i32 = arith.constant 0 : i32
    %c0_i32_0 = arith.constant 0 : i32
    return %arg0, %c0_i32 : i32, i32
  }
  func.func @transform_1(%arg0: i32) -> (i32, i32) {
    %c0_i32 = arith.constant 0 : i32
    %c0_i32_0 = arith.constant 0 : i32
    return %arg0, %c0_i32 : i32, i32
  }
  func.func @transform_2(%arg0: i32) -> (i32, i32) {
    %c0_i32 = arith.constant 0 : i32
    %c0_i32_0 = arith.constant 0 : i32
    %c0_i32_1 = arith.constant 0 : i32
    return %c0_i32, %c0_i32_0 : i32, i32
  }
  func.func @transform_3(%arg0: i32) -> (i32, i32) {
    %c0_i32 = arith.constant 0 : i32
    %c0_i32_0 = arith.constant 0 : i32
    %c0_i32_1 = arith.constant 0 : i32
    return %c0_i32, %c0_i32_0 : i32, i32
  }
  func.func @transform_4(%arg0: i32) -> (i32, i32) {
    %c0_i32 = arith.constant 0 : i32
    %c0_i32_0 = arith.constant 0 : i32
    %c0_i32_1 = arith.constant 0 : i32
    return %c0_i32, %c0_i32_0 : i32, i32
  }
  func.func @transform_5(%arg0: i32) -> (i32, i32) {
    %c0_i32 = arith.constant 0 : i32
    %c0_i32_0 = arith.constant 0 : i32
    %c0_i32_1 = arith.constant 0 : i32
    return %c0_i32, %c0_i32_0 : i32, i32
  }
  func.func @transform_6(%arg0: i32) -> (i32, i32) {
    %c0_i32 = arith.constant 0 : i32
    %c0_i32_0 = arith.constant 0 : i32
    %c0_i32_1 = arith.constant 0 : i32
    return %c0_i32, %c0_i32_0 : i32, i32
  }
  func.func @transform_7(%arg0: i32) -> (i32, i32) {
    %c0_i32 = arith.constant 0 : i32
    %c0_i32_0 = arith.constant 0 : i32
    %c0_i32_1 = arith.constant 0 : i32
    return %c0_i32, %c0_i32_0 : i32, i32
  }
  func.func @transform_8(%arg0: i32) -> (i32, i32, i32) {
    %c0_i32 = arith.constant 0 : i32
    %c0_i32_0 = arith.constant 0 : i32
    %c0_i32_1 = arith.constant 0 : i32
    %c0_i32_2 = arith.constant 0 : i32
    return %c0_i32, %c0_i32_0, %c0_i32_1 : i32, i32, i32
  }
  func.func @transform_9(%arg0: i32) -> (i32, i32) {
    %c0_i32 = arith.constant 0 : i32
    %c0_i32_0 = arith.constant 0 : i32
    %c0_i32_1 = arith.constant 0 : i32
    return %c0_i32, %c0_i32_0 : i32, i32
  }
  func.func @transform_10(%arg0: i32) -> (i32, i32, i32) {
    %c0_i32 = arith.constant 0 : i32
    %c0_i32_0 = arith.constant 0 : i32
    %c0_i32_1 = arith.constant 0 : i32
    %c0_i32_2 = arith.constant 0 : i32
    return %c0_i32, %c0_i32_0, %c0_i32_1 : i32, i32, i32
  }
  func.func @transform_11(%arg0: i32) -> (i32, i32) {
    %c0_i32 = arith.constant 0 : i32
    %c0_i32_0 = arith.constant 0 : i32
    %c0_i32_1 = arith.constant 0 : i32
    return %c0_i32, %c0_i32_0 : i32, i32
  }
  func.func @transform_12(%arg0: i32) -> (i32, i32, i32) {
    %c0_i32 = arith.constant 0 : i32
    %c0_i32_0 = arith.constant 0 : i32
    %c0_i32_1 = arith.constant 0 : i32
    %c0_i32_2 = arith.constant 0 : i32
    return %c0_i32, %c0_i32_0, %c0_i32_1 : i32, i32, i32
  }
  func.func @transform_13(%arg0: i32) -> (i32, i32) {
    %c0_i32 = arith.constant 0 : i32
    %c0_i32_0 = arith.constant 0 : i32
    %c0_i32_1 = arith.constant 0 : i32
    return %c0_i32, %c0_i32_0 : i32, i32
  }
  func.func @transform_14(%arg0: i32) -> (i32, i32) {
    %c0_i32 = arith.constant 0 : i32
    %c0_i32_0 = arith.constant 0 : i32
    return %arg0, %c0_i32 : i32, i32
  }
}

</mosaic_0001>

<sc_bundles>
// kernel: kernel.5.cloned.1.call-start
scs
__scs_entry_jumppad:
0x0: {  	(pc) =	sbr.rel $0x88, $3  }
0x1: {  	(tag) =	ssettag $0x0;
	lr =	simm.s32 $0x1  }
0x2: {  	[smem:$0x3F8C] =	sst lr;
	_ =	strace $0xD0000000  }
0x3: {  	_ = 	snop  }
0x4: {  	_ = 	snop  }
0x5: {  	_ = 	snop  }
0x6: {  	_ = 	snop  }
0x7: {  	_ = 	snop  }
__scs_overlays_trampoline_lowered:
0x8: {  	[smem:$0x3F9B] =	sst s0  }
0x9: {  	[smem:$0x3F9C] =	sst s1  }
0xa: {  	[smem:$0x3F9D] =	sst s2  }
0xb: {  	[smem:$0x3F9E] =	sst s3  }
0xc: {  	[smem:$0x3F9F] =	sst s4  }
0xd: {  	[smem:$0x3FA0] =	sst s5  }
0xe: {  	[smem:$0x3FA1] =	sst s6  }
0xf: {  	[smem:$0x3FA2] =	sst s7  }
0x10: {  	[smem:$0x3FA3] =	sst s8  }
0x11: {  	[smem:$0x3FA4] =	sst s9;
	s0 =	simm.s32 @!p0 $0x0  }
0x12: {  	s1 =	sld [smem:$0x3F8A];
	s0 =	simm.s32 @p0 $0x1  }
0x13: {  	[smem:$0x3FA5] =	sst s0;
	s0 =	simm.s32 @!p1 $0x0  }
0x14: {  	s2 =	sld [smem:$0x3F89];
	s0 =	simm.s32 @p1 $0x1  }
0x15: {  	[smem:$0x3FA6] =	sst s0;
	s0 =	simm.s32 @!p2 $0x0  }
0x16: {  	s3 =	sld [smem:$0x3FDB];
	s0 =	simm.s32 @p2 $0x1  }
0x17: {  	s4 =	simm.s32 $0x1BF5;
	[smem:$0x3FA8] =	sst s0  }
0x18: {  	s0 =	sld [smem:$0x3F8B];
	_ =	swait.ge [sflag:s4], $0x0  }
0x19: {  	s7 =	sld [smem:$0x3F8C]  }
0x1a: {  	s8 =	sadd.s32 $0xFFFFE003, lr  }
0x1b: {  	s9 =	sadd.s32 $0xFFFFFEF7, lr;
	s5 =	simm.s32 $0xFFFFFFFF;
	p2 =	slt.u32 s8, $0xFFFFF086  }
0x1c: {  	p1 =	slt.u32 s9, $0xF7A;
	s5 =	simm.s32 @!p2 $0x0  }
0x1d: {  	s5 =	simm.s32 @p1 $0x1;
	p0 =	seq.s32 s7, s2  }
0x1e: {  	s7 =	smul.u32 @!p0 $0xF7A, s2;
	p2 =	seq.s32 @!p0 s5, $0x0  }
0x1f: {  	s9 =	smul.u32 $0xF7A, s1;
	s8 =	simm.s32 @!p0 $0x1BF5;
	p2 =	por !p2, p0  }
0x20: {  	[sflag:s8] =	ssyncset.s32 @!p0 $0xFFFFF086;
	s6 =	sadd.s32 @!p0 s3, s7;
	s7 =	simm.s32 @!p0 $0x108  }
0x21: {  	s3 =	sadd.s32 s3, s9;
	s6 =	sadd.s32 @!p0 $0x88, s6;
	s7 =	simm.s32 @p2 $0x1082  }
0x22: {  	[simem:s7], [sflag:s8] =	dma.local @!p0 [hbm:s6], $0xF7A  }
0x23: {  	s9 =	sor.u32 $0xD0000000, s2;
	s6 =	simm.s32 $0x108;
	_ =	swait.ge @!p0 [sflag:s8], $0x0  }
0x24: {  	s3 =	sadd.s32 $0x88, s3;
	s6 =	simm.s32 @!p1 $0x1082;
	[sflag:s4] =	ssyncset.s32 $0xFFFFF086  }
0x25: {  	[simem:s6], [sflag:s4] =	dma.local [hbm:s3], $0xF7A  }
0x26: {  	[smem:$0x3F8C] =	sst s1;
	(tag) =	ssettag s2;
	_ =	strace s9  }
0x27: {  	s1 =	sld [smem:$0x3F9C]  }
0x28: {  	s2 =	sld [smem:$0x3F9D]  }
0x29: {  	s4 =	sld [smem:$0x3F9F]  }
0x2a: {  	p0 =	seq.s32 s5, $0x0;
	s5 =	sld [smem:$0x3FA0]  }
0x2b: {  	s6 =	sld [smem:$0x3FA1]  }
0x2c: {  	s7 =	sld [smem:$0x3FA2]  }
0x2d: {  	s3 =	simm.s32 $0x108;
	s8 =	sld [smem:$0x3FA3]  }
0x2e: {  	s3 =	simm.s32 @!p0 $0x1082;
	s9 =	sld [smem:$0x3FA4]  }
0x2f: {  	lr =	sadd.s32 s0, s3;
	s0 =	sld [smem:$0x3F9B]  }
0x30: {  	s3 =	sld [smem:$0x3F9E]  }
0x31: {  	[smem:$0x3FA7] =	sst s10  }
0x32: {  	s10 =	sld [smem:$0x3FA5];
	_ =	sdelay $0x3  }
0x33: {  	p0 =	seq.s32 s10, $0x1;
	s10 =	sld [smem:$0x3FA7];
	_ =	sdelay $0x3  }
0x34: {  	[smem:$0x3FA7] =	sst s10  }
0x35: {  	s10 =	sld [smem:$0x3FA6];
	_ =	sdelay $0x3  }
0x36: {  	p1 =	seq.s32 s10, $0x1;
	s10 =	sld [smem:$0x3FA7];
	_ =	sdelay $0x3  }
0x37: {  	[smem:$0x3FA7] =	sst s10  }
0x38: {  	s10 =	sld [smem:$0x3FA8]  }
0x39: {  	_ = 	snop;
	(pc) =	sbr.ind lr, $3  }
0x3a: {  	_ = 	snop  }
0x3b: {  	_ = 	snop  }
0x3c: {  	p2 =	seq.s32 s10, $0x1;
	s10 =	sld [smem:$0x3FA7]  }
0x3d: {  	_ =	shalt  }
0x3e: {  	_ =	shalt  }
0x3f: {  	_ =	shalt  }
0x40: {  	_ =	shalt  }
0x41: {  	_ =	shalt  }
0x42: {  	_ =	shalt  }
0x43: {  	_ =	shalt  }
0x44: {  	_ =	shalt  }
0x45: {  	_ =	shalt  }
0x46: {  	_ =	shalt  }
0x47: {  	_ =	shalt  }
0x48: {  	_ =	shalt  }
0x49: {  	_ =	shalt  }
0x4a: {  	_ =	shalt  }
0x4b: {  	_ =	shalt  }
0x4c: {  	_ =	shalt  }
0x4d: {  	_ =	shalt  }
0x4e: {  	_ =	shalt  }
0x4f: {  	_ =	shalt  }
0x50: {  	_ =	shalt  }
0x51: {  	_ =	shalt  }
0x52: {  	_ =	shalt  }
0x53: {  	_ =	shalt  }
0x54: {  	_ =	shalt  }
0x55: {  	_ =	shalt  }
0x56: {  	_ =	shalt  }
0x57: {  	_ =	shalt  }
0x58: {  	_ =	shalt  }
0x59: {  	_ =	shalt  }
0x5a: {  	_ =	shalt  }
0x5b: {  	_ =	shalt  }
0x5c: {  	_ =	shalt  }
0x5d: {  	_ =	shalt  }
0x5e: {  	_ =	shalt  }
0x5f: {  	_ =	shalt  }
0x60: {  	_ =	shalt  }
0x61: {  	_ =	shalt  }
0x62: {  	_ =	shalt  }
0x63: {  	_ =	shalt  }
0x64: {  	_ =	shalt  }
0x65: {  	_ =	shalt  }
0x66: {  	_ =	shalt  }
0x67: {  	_ =	shalt  }
0x68: {  	_ =	shalt  }
0x69: {  	_ =	shalt  }
0x6a: {  	_ =	shalt  }
0x6b: {  	_ =	shalt  }
0x6c: {  	_ =	shalt  }
0x6d: {  	_ =	shalt  }
0x6e: {  	_ =	shalt  }
0x6f: {  	_ =	shalt  }
0x70: {  	_ =	shalt  }
0x71: {  	_ =	shalt  }
0x72: {  	_ =	shalt  }
0x73: {  	_ =	shalt  }
0x74: {  	_ =	shalt  }
0x75: {  	_ =	shalt  }
0x76: {  	_ =	shalt  }
0x77: {  	_ =	shalt  }
0x78: {  	_ =	shalt  }
0x79: {  	_ =	shalt  }
0x7a: {  	_ =	shalt  }
0x7b: {  	_ =	shalt  }
0x7c: {  	_ =	shalt  }
0x7d: {  	_ =	shalt  }
0x7e: {  	_ =	shalt  }
0x7f: {  	_ =	shalt  }
0x80: {  	_ =	shalt  }
0x81: {  	_ =	shalt  }
0x82: {  	_ =	shalt  }
0x83: {  	_ =	shalt  }
0x84: {  	_ =	shalt  }
0x85: {  	_ =	shalt  }
0x86: {  	_ =	shalt  }
0x87: {  	_ =	shalt  }
.Lfunc_end0:
.L_simem_size_0:
called_computation_lowered:
.L_overlay_start_0:
0x88: {  	s2 =	sld [smem:$0x3FD9]  }
0x89: {  	s3 =	sld [smem:$0x3FFE];
	_ =	sdelay $0x1  }
0x8a: {  	s1 =	srdreg.scid  }
0x8b: {  	s0 =	sand.u32 $0x1, s1  }
0x8c: {  	s14 =	sshll.u32 s0, $0xA;
	s2 =	sadd.s32 s3, s2  }
0x8d: {  	s2 =	sadd.s32 s2, s14  }
0x8e: {  	[smem:$0x3FB3] =	sst s2  }
0x8f: {  	_ = 	snop  }
0x90: {  	s2 =	sld [smem:$0x3FD0];
	_ =	sdelay $0x2  }
0x91: {  	s15 =	simm.s32 $0xA;
	s4 =	simm.s32 $0x10  }
0x92: {  	[smem:s4], [sflag:s15] =	dma.local [hbm:s2], $0x1  }
0x93: {  	_ =	swait.eq [sflag:s15], $0x1  }
0x94: {  	s16 =	sld [smem:$0x10];
	[sflag:s15] =	ssyncset.done $0x0  }
0x95: {  	s17 =	sld [smem:$0x12];
	[sflag:s15] =	ssyncadd.s32 $0xFFFFFFFF  }
0x96: {  	s18 =	sld [smem:$0x13];
	(tm) =	ssettm $0x1  }
0x97: {  	s5 =	sld [smem:$0x3FFB];
	_ =	sdelay $0x3  }
0x98: {  	_ =	strace s5  }
0x99: {  	s5 =	sld [smem:$0x3FFC];
	_ =	sdelay $0x3  }
0x9a: {  	_ =	strace s5  }
0x9b: {  	s5 =	sld [smem:$0x3FFD];
	_ =	sdelay $0x3  }
0x9c: {  	_ =	strace s5  }
0x9d: {  	_ =	strace $0x8FFFFFFF  }
0x9e: {  	s19 =	sld [smem:$0x3FDB];
	_ =	sdelay $0x1  }
0x9f: {  	s6 =	simm.s32 $_scs_section_size  }
0xa0: {  	s7 =	simm.s32 $_size__tile_overlayer_lowered;
	s8 =	simm.s32 $_tile_overlayer_lowered  }
0xa1: {  	s22 =	simm.s32 $0x1BFF;
	s21 =	sshll.u32 s8, $0x1;
	s5 =	sadd.s32 s6, s19  }
0xa2: {  	s9 =	simm.s32 $0x0;
	s20 =	sshll.u32 s7, $0x1;
	s7 =	sadd.s32 s21, s5  }
0xa3: {  	[timem:s9], [sflag:s22] =	dma.local [hbm:s7], s20  }
0xa4: {  	_ =	swait.ge [sflag:s22], s20  }
0xa5: {  	s6 =	ssub.s32 $0x0, s20;
	[sflag:s22] =	ssyncset.done $0x0  }
0xa6: {  	[sflag:s22] =	ssyncadd.s32 s6;
	_ =	sdelay $0x1  }
0xa7: {  	s23 =	simm.s32 $0x1B8B  }
0xa8: {  	_ =	swait.ge [sflag:s23], $0x1  }
0xa9: {  	[sflag:s23] =	ssyncset.done $0x0  }
0xaa: {  	s25 =	simm.s32 $0x1B8E;
	s24 =	sld [smem:$0x3FFE];
	[sflag:s23] =	ssyncadd.s32 $0xFFFFFFFF  }
0xab: {  	s26 =	simm.s32 $execute0_lowered;
	[smem:$0x3FD2] =	sst s25  }
0xac: {  	s7 =	sshll.u32 s26, $0x1;
	_ =	strace $0x80000046;
	[dreg:$0x1] =	wrdreg $0xFFFFFFFF  }
0xad: {  	s28 =	simm.s32 $_size_execute0_lowered;
	s5 =	sadd.s32 s5, s7;
	[dreg:$0x0] =	wrdreg $0x0  }
0xae: {  	s7 =	sshll.u32 s28, $0x1;
	[dreg:$0x2] =	wrdreg s5  }
0xaf: {  	[dreg:$0x3] =	wrdreg s7  }
0xb0: {  	[dreg:$0x4] =	wrdreg $0xC0  }
0xb1: {  	_ =	task [dreg:s9], $0x5FFFF  }
0xb2: {  	[dreg:$0x1] =	wrdreg $0xFFFFFFFF  }
0xb3: {  	[dreg:$0x0] =	wrdreg $0x60  }
0xb4: {  	[dreg:$0x2] =	wrdreg s17  }
0xb5: {  	[dreg:$0x3] =	wrdreg s16  }
0xb6: {  	[dreg:$0x4] =	wrdreg s18  }
0xb7: {  	[dreg:$0x5] =	wrdreg s24  }
0xb8: {  	[dreg:$0x6] =	wrdreg $0x9  }
0xb9: {  	_ =	task.clear_ibuf [dreg:s9], $0x7FFFF;
	_ =	strace $0x90000046  }
0xba: {  	s29 =	simm.s32 $0x9;
	_ =	strace $0x80000048  }
0xbb: {  	_ =	swait.ge [sflag:s29], $0x1  }
0xbc: {  	[sflag:s29] =	ssyncadd.s32 $0xFFFFFFFF  }
0xbd: {  	_ =	strace $0x90000048  }
0xbe: {  	_ =	sfence  }
0xbf: {  	s30 =	sld [smem:$0x0];
	_ =	sdelay $0x2  }
0xc0: {  	s31 =	sshll.u32 s1, $0xD;
	s1 =	sshrl.u32 s1, $0x2  }
0xc1: {  	s3 =	sand.u32 $0x4000, s31;
	s1 =	sadd.s32 s1, s30  }
0xc2: {  	s0 =	sor.u32 s3, s0;
	s1 =	sshll.u32 s1, $0x11  }
0xc3: {  	s0 =	sor.u32 s1, s0  }
0xc4: {  	s0 =	sadd.s32 $0x8F2B, s0  }
0xc5: {  	[sflag:s0] =	ssyncadd.remote.s32 $0x1  }
0xc6: {  	_ =	sfence.sel $0xFFFF  }
0xc7: {  	[dreg:$0x0] =	wrdreg $0xFFFFFFFF;
	(pc) =	sbr.abs _section_cstart, $3  }
0xc8: {  	[dreg:$0x1] =	wrdreg $0xFFFFFFFF  }
0xc9: {  	_ =	task.clear_ibuf [dreg:s9], $0x2FFFF;
	_ =	strace $0x9FFFFFFF  }
0xca: {  	(tm) =	ssettm $0x7FFFFFFF  }
0xcb: {  	_ =	shalt  }
tec
execute0_lowered:
.L_overlay_start_1:
0x0: {  	(tag) =	ssettag $0x1  }
0x1: {  	s1 =	rddreg [dreg:$0x0]  }
0x2: {  	s3 =	rddreg [dreg:$0x1]  }
0x3: {  	s5 =	rddreg [dreg:$0x2]  }
0x4: {  	s2 =	srdreg.scid;
	s0 =	stileid.u32  }
0x5: {  	s15 =	rddreg [dreg:$0x3];
	s14 =	sand.u32 $0x1, s2;
	s6 =	sshll.u32 s0, $0x1  }
0x6: {  	s4 =	simm.s32 $0x0;
	s2 =	rddreg [dreg:$0x4];
	s16 =	sor.u32 s14, s6  }
0x7: {  	[smem:$0x7FF] =	sst s4;
	s6 =	sshll.u32 s16, $0x4  }
0x8: {  	_ =	strace $0x80000047;
	s6 =	sadd.s32 s5, s6;
	s5 =	simm.s32 $0x3  }
0x9: {  	[tilespmem:s4], [sflag:$0x3] =	stream.linear.gather [hbm4b:s6+s4], $0x80, $0x38;
	[tilespmem:$0x5100] =	vst v63  }
0xa: {  	s7 =	sshll.u32 s16, $0x2;
	_ =	swait.ge [sflag:s5], $0x80  }
0xb: {  	s7 =	sadd.s32 s7, s15;
	[sflag:s5] =	ssyncset.done $0x0  }
0xc: {  	s8 =	simm.s32 $0x4080;
	s7 =	sadd.s32 $0x4000, s7;
	[sflag:s5] =	ssyncadd.s32 $0xFFFFFF80  }
0xd: {  	[tilespmem:s8], [sflag:$0x3] =	stream.linear.gather [hbm4b:s7+s4], $0x20, $0x38;
	[tilespmem:$0x5100] =	vst v63  }
0xe: {  	_ =	swait.ge [sflag:s5], $0x20  }
0xf: {  	[sflag:s5] =	ssyncset.done $0x0  }
0x10: {  	s9 =	simm.s32 $0x80;
	[sflag:s5] =	ssyncadd.s32 $0xFFFFFFE0  }
0x11: {  	[tilespmem:s9], [sflag:$0x1] =	stream.indirect.gather [hbm4b:s1+s9], $0x80, s4, s9, $0xb8;
	[tilespmem:$0x5100] =	vst v63  }
0x12: {  	s10 =	simm.s32 $0x20;
	s11 =	simm.s32 $0x4100;
	s12 =	simm.s32 $0x1  }
0x13: {  	[tilespmem:s11], [sflag:$0x2] =	stream.indirect.gather [hbm4b:s3+s10], $0x80, s8, s10, $0xb8;
	[tilespmem:$0x5100] =	vst v63  }
0x14: {  	_ =	swait.ge [sflag:s12], $0x4000  }
0x15: {  	s13 =	simm.s32 $0x2;
	s18 =	ssub.s32 $0x2, s14;
	[sflag:s12] =	ssyncset.done $0x0  }
0x16: {  	s17 =	sshll.u32 s16, $0xB;
	s16 =	sshll.u32 s16, $0x9;
	[sflag:s12] =	ssyncadd.s32 $0xFFFFC000  }
0x17: {  	s30 =	sshrl.u32 s18, $0x1;
	s17 =	sadd.s32 s17, s15;
	_ =	swait.ge [sflag:s13], $0x1000  }
0x18: {  	s15 =	sadd.s32 s16, s15;
	s31 =	ssub.s32 s18, s30;
	[sflag:s13] =	ssyncset.done $0x0  }
0x19: {  	s14 =	sadd.s32 $0x8200, s17;
	s16 =	smax.u32 s31, $0x1;
	[sflag:s13] =	ssyncadd.s32 $0xFFFFF000  }
0x1a: {  	[hbm4b:s14+s4] =	stream.linear.scatter [tilespmem:s9], [sflag:$0x3], $0x4000, $0x38;
	[tilespmem:$0x5100] =	vst v63  }
0x1b: {  	p0 =	sne.s32 s16, $0x1;
	_ =	swait.ge [sflag:s5], $0x4000  }
.Ltmp0:
0x1c: {  	[sflag:s5] =	ssyncset.done $0x0;
	(pc) =	sbr.rel @!p0 .LBB2_2-.Ltmp0, $4  }
0x1d: {  	s15 =	sadd.s32 $0x4200, s15;
	[sflag:s5] =	ssyncadd.s32 $0xFFFFC000  }
0x1e: {  	[hbm4b:s15+s4] =	stream.linear.scatter [tilespmem:s11], [sflag:$0x3], $0x1000, $0x38;
	[tilespmem:$0x5100] =	vst v63  }
0x1f: {  	_ =	swait.ge [sflag:s5], $0x1000  }
0x20: {  	s16 =	sadd.s32 $0xFFFFFFFF, s16;
	[sflag:s5] =	ssyncset.done $0x0  }
.LBB2_1:
0x21: {  	p0 =	sne.s32 s16, $0x1;
	s16 =	sadd.s32 $0xFFFFFFFF, s16;
	[sflag:s5] =	ssyncadd.s32 $0xFFFFF000  }
0x22: {  	[tilespmem:s4], [sflag:$0x3] =	stream.linear.gather [hbm4b:s6+s4], $0x80, $0x38;
	[tilespmem:$0x5100] =	vst v63  }
0x23: {  	_ =	swait.ge [sflag:s5], $0x80  }
0x24: {  	[sflag:s5] =	ssyncset.done $0x0  }
0x25: {  	[sflag:s5] =	ssyncadd.s32 $0xFFFFFF80  }
0x26: {  	[tilespmem:s8], [sflag:$0x3] =	stream.linear.gather [hbm4b:s7+s4], $0x20, $0x38;
	[tilespmem:$0x5100] =	vst v63  }
0x27: {  	_ =	swait.ge [sflag:s5], $0x20  }
0x28: {  	[sflag:s5] =	ssyncset.done $0x0  }
0x29: {  	[sflag:s5] =	ssyncadd.s32 $0xFFFFFFE0  }
0x2a: {  	[tilespmem:s9], [sflag:$0x1] =	stream.indirect.gather [hbm4b:s1+s9], $0x80, s4, s9, $0xb8;
	[tilespmem:$0x5100] =	vst v63  }
0x2b: {  	_ = 	snop  }
0x2c: {  	[tilespmem:s11], [sflag:$0x2] =	stream.indirect.gather [hbm4b:s3+s10], $0x80, s8, s10, $0xb8;
	[tilespmem:$0x5100] =	vst v63  }
0x2d: {  	_ =	swait.ge [sflag:s12], $0x4000  }
0x2e: {  	[sflag:s12] =	ssyncset.done $0x0  }
0x2f: {  	[sflag:s12] =	ssyncadd.s32 $0xFFFFC000  }
0x30: {  	_ =	swait.ge [sflag:s13], $0x1000  }
0x31: {  	[sflag:s13] =	ssyncset.done $0x0  }
0x32: {  	[sflag:s13] =	ssyncadd.s32 $0xFFFFF000  }
0x33: {  	[hbm4b:s14+s4] =	stream.linear.scatter [tilespmem:s9], [sflag:$0x3], $0x4000, $0x38;
	[tilespmem:$0x5100] =	vst v63  }
0x34: {  	_ =	swait.ge [sflag:s5], $0x4000  }
.Ltmp1:
0x35: {  	[sflag:s5] =	ssyncset.done $0x0;
	(pc) =	sbr.rel @p0 .LBB2_1-.Ltmp1, $4  }
0x36: {  	[sflag:s5] =	ssyncadd.s32 $0xFFFFC000  }
0x37: {  	[hbm4b:s15+s4] =	stream.linear.scatter [tilespmem:s11], [sflag:$0x3], $0x1000, $0x38;
	[tilespmem:$0x5100] =	vst v63  }
0x38: {  	_ =	swait.ge [sflag:s5], $0x1000  }
0x39: {  	[sflag:s5] =	ssyncset.done $0x0  }
.LBB2_2:
0x3a: {  	[sflag:s5] =	ssyncadd.s32 $0xFFFFF000  }
0x3b: {  	_ =	sfence.sel $0x180000  }
0x3c: {  	[bflag:$0x0] =	sbarrier.arrive $0xFFFF  }
0x3d: {  	p0 =	sne.s32 s0, $0x0;
	_ =	strace $0x90000047  }
0x3e: {  	s0 =	sadd.s32 @!p0 $0x100000, s2;
	[bflag:$0x2] =	sbarrier.arrive $0xFFFF  }
0x3f: {  	[sflag:s0] =	ssyncadd.tile.s32 @!p0 $0x1;
	_ =	shalt  }
.Lfunc_end2:
_tile_overlayer_lowered:
.L_overlay_start_2:
0x40: {  	(tag) =	ssettag $0x2  }
0x41: {  	s0 =	rddreg [dreg:$0x0];
	s2 =	stileid.u32  }
0x42: {  	s1 =	rddreg [dreg:$0x1];
	p0 =	sne.s32 s2, $0x0  }
0x43: {  	s3 =	rddreg [dreg:$0x2];
	[bflag:$0x3] =	sbarrier.arrive $0xFFFF;
	s2 =	simm.s32 @!p0 $0x1C03  }
0x44: {  	[timem:s3], [sflag:s2] =	dma.local @!p0 [hbm:s0], s1  }
0x45: {  	s0 =	simm.s32 @!p0 $0x3  }
0x46: {  	_ =	swait.ge @!p0 [sflag:s0], s1  }
0x47: {  	s1 =	ssub.s32 @!p0 $0x0, s1;
	[sflag:s0] =	ssyncset.done @!p0 $0x0  }
0x48: {  	[sflag:s0] =	ssyncadd.s32 @!p0 s1  }
0x49: {  	[bflag:$0x3] =	sbarrier.arrive $0xFFFF  }
0x4a: {  	_ =	shalt  }

</sc_bundles>
